<compile_context>
chip_gen: v7x
topology: tpu7x:2x2x1
jax: 0.10.2.dev20260603
libtpu: 0.0.44.dev20260713+nightly
codegen_flags: <defaults>
</compile_context>

<pallas_src>
import functools

import jax
import jax.numpy as jnp
from jax import lax
from jax.experimental import pallas as pl
from jax.experimental.pallas import tpu as pltpu
from jax.experimental.pallas import tpu_sc as plsc

N = 10000
E = 160000
H = 128

NC = 2
NS = 16
NW = NC * NS
EPW = E // NW
K = 125
NB = EPW // K
NPAD = 10240
RPT = NPAD // NS
DPT = NPAD // NS


NBD = E // NS // K


def _deg_body(dst_hbm, ones_hbm, zeros_hbm, out_hbm, idx_v, ones_v, acc_sh, sem):
    c = lax.axis_index("c")
    s = lax.axis_index("s")

    @pl.when(c == 0)
    def _():
        pltpu.sync_copy(dst_hbm.at[s], idx_v)
        pltpu.sync_copy(ones_hbm, ones_v)
        pltpu.sync_copy(zeros_hbm, acc_sh.at[pl.ds(s * DPT, DPT)])
        plsc.subcore_barrier()

        def body(j, carry):
            pltpu.sync_copy(ones_v, acc_sh.at[idx_v.at[j]], add=True)
            return carry

        lax.fori_loop(0, NBD, body, 0)
        plsc.subcore_barrier()
        pltpu.sync_copy(acc_sh.at[pl.ds(s * DPT, DPT)],
                        out_hbm.at[pl.ds(s * DPT, DPT)])


_deg_kernel = functools.partial(
    pl.kernel,
    out_type=jax.ShapeDtypeStruct((NPAD,), jnp.float32),
    mesh=plsc.VectorSubcoreMesh(core_axis_name="c", subcore_axis_name="s", num_cores=NC, num_subcores=NS),
    scratch_types=[
        pltpu.VMEM((NBD, K), jnp.int32),
        pltpu.VMEM((K,), jnp.float32),
        pltpu.VMEM_SHARED((NPAD,), jnp.float32),
        pltpu.SemaphoreType.DMA,
    ],
)(_deg_body)


def _agg_body(zp_hbm, src_hbm, dst_hbm, zrows_hbm, out_hbm,
              sidx, didx, rows0, rows1, acc_sh, gsem0, gsem1):
    c = lax.axis_index("c")
    s = lax.axis_index("s")
    w = c * NS + s
    pltpu.sync_copy(src_hbm.at[w], sidx)
    pltpu.sync_copy(dst_hbm.at[w], didx)

    @pl.when(c == 0)
    def _():
        pltpu.sync_copy(zp_hbm.at[pl.ds(s * RPT, RPT)],
                        acc_sh.at[pl.ds(s * RPT, RPT)])

    @pl.when(c == 1)
    def _():
        pltpu.sync_copy(zrows_hbm, acc_sh.at[pl.ds(s * RPT, RPT)])

    plsc.subcore_barrier()

    pltpu.async_copy(zp_hbm.at[sidx.at[0]], rows0, gsem0)

    def body(t, carry):
        j0 = 2 * t
        pltpu.make_async_copy(zp_hbm.at[sidx.at[j0]], rows0, gsem0).wait()
        pltpu.async_copy(zp_hbm.at[sidx.at[j0 + 1]], rows1, gsem1)
        pltpu.sync_copy(rows0, acc_sh.at[didx.at[j0]], add=True)
        pltpu.make_async_copy(zp_hbm.at[sidx.at[j0 + 1]], rows1, gsem1).wait()

        @pl.when(t < NB // 2 - 1)
        def _():
            pltpu.async_copy(zp_hbm.at[sidx.at[j0 + 2]], rows0, gsem0)

        pltpu.sync_copy(rows1, acc_sh.at[didx.at[j0 + 1]], add=True)
        return carry

    lax.fori_loop(0, NB // 2, body, 0)
    plsc.subcore_barrier()
    base = c * NPAD + s * RPT
    pltpu.sync_copy(acc_sh.at[pl.ds(s * RPT, RPT)], out_hbm.at[pl.ds(base, RPT)])


_agg_kernel = functools.partial(
    pl.kernel,
    out_type=jax.ShapeDtypeStruct((NC * NPAD, H), jnp.float32),
    mesh=plsc.VectorSubcoreMesh(core_axis_name="c", subcore_axis_name="s", num_cores=NC, num_subcores=NS),
    scratch_types=[
        pltpu.VMEM((NB, K), jnp.int32),
        pltpu.VMEM((NB, K), jnp.int32),
        pltpu.VMEM((K, H), jnp.float32),
        pltpu.VMEM((K, H), jnp.float32),
        pltpu.VMEM_SHARED((NPAD, H), jnp.float32),
        pltpu.SemaphoreType.DMA,
        pltpu.SemaphoreType.DMA,
    ],
)(_agg_body)


BR = 2000


def _fast_sin(x):
    k = jnp.round(x * (1.0 / jnp.pi))
    r = x - k * jnp.pi
    ki = k.astype(jnp.int32)
    sgn = jnp.where((ki & 1) == 0, 1.0, -1.0)
    r2 = r * r
    p = r * (1.0 + r2 * (-0.16666667 + r2 * (8.3333310e-3
                                             + r2 * (-1.9840874e-4
                                                     + r2 * 2.7525562e-6))))
    return sgn * p


def _lin1_body(x_ref, xyz_ref, rot_ref, col_ref, sc_ref, op_ref,
               wx_ref, wf_ref, scales_ref, degp_ref, zp_ref, dinv_ref):
    deg = degp_ref[...] + 1.0
    dinv = lax.rsqrt(deg)
    pos = _fast_sin(xyz_ref[...] * scales_ref[...])
    feat = jnp.concatenate(
        [pos, rot_ref[...], col_ref[...], sc_ref[...], op_ref[...]], axis=1)
    z = (jnp.dot(x_ref[...].astype(jnp.bfloat16), wx_ref[...],
                 preferred_element_type=jnp.float32)
         + jnp.dot(feat.astype(jnp.bfloat16), wf_ref[...],
                   preferred_element_type=jnp.float32))
    zp_ref[...] = z * dinv
    dinv_ref[...] = dinv


def _lin1(x, xyz, rot, color, scale, opacity, w1x, w1f, scales, degp1):
    row = lambda i: (i, 0)
    return pl.pallas_call(
        _lin1_body,
        grid=(N // BR,),
        in_specs=[
            pl.BlockSpec((BR, 288), row),
            pl.BlockSpec((BR, 3), row),
            pl.BlockSpec((BR, 4), row),
            pl.BlockSpec((BR, 3), row),
            pl.BlockSpec((BR, 3), row),
            pl.BlockSpec((BR, 1), row),
            pl.BlockSpec((288, H), lambda i: (0, 0)),
            pl.BlockSpec((14, H), lambda i: (0, 0)),
            pl.BlockSpec((1, 3), lambda i: (0, 0)),
            pl.BlockSpec((BR, 1), row),
        ],
        out_specs=[
            pl.BlockSpec((BR, H), row),
            pl.BlockSpec((BR, 1), row),
        ],
        out_shape=[
            jax.ShapeDtypeStruct((NPAD, H), jnp.float32),
            jax.ShapeDtypeStruct((NPAD, 1), jnp.float32),
        ],
    )(x, xyz, rot, color, scale, opacity, w1x, w1f, scales, degp1)


def _mid_body(acc_ref, dinv_ref, b_ref, w_ref, out_ref):
    dinv = dinv_ref[...]
    hcur = jnp.maximum(
        dinv * (acc_ref[0] + acc_ref[1]) + b_ref[...], 0.0)
    z = jnp.dot(hcur, w_ref[...], preferred_element_type=jnp.float32)
    out_ref[...] = z * dinv


def _mid(acc, dinv, b, w):
    return pl.pallas_call(
        _mid_body,
        grid=(N // BR,),
        in_specs=[
            pl.BlockSpec((2, BR, H), lambda i: (0, i, 0)),
            pl.BlockSpec((BR, 1), lambda i: (i, 0)),
            pl.BlockSpec((1, H), lambda i: (0, 0)),
            pl.BlockSpec((H, H), lambda i: (0, 0)),
        ],
        out_specs=pl.BlockSpec((BR, H), lambda i: (i, 0)),
        out_shape=jax.ShapeDtypeStruct((NPAD, H), jnp.float32),
    )(acc, dinv, b, w)


def _heads_body(acc_ref, dinv_ref, b3_ref, w1c_ref, b1c_ref,
                w2b_ref, b2c_ref, st_ref, dscale_ref, lo_ref, hi_ref,
                xyz_o, rot_o, col_o, sc_o, op_o):
    dinv = dinv_ref[...]
    h3 = jnp.maximum(
        dinv * (acc_ref[0] + acc_ref[1]) + b3_ref[...], 0.0)
    hh = jnp.maximum(
        jnp.dot(h3.astype(jnp.bfloat16), w1c_ref[...],
                preferred_element_type=jnp.float32)
        + b1c_ref[...], 0.0)
    delta = (jnp.dot(hh.astype(jnp.bfloat16), w2b_ref[...],
                     preferred_element_type=jnp.float32)
             + b2c_ref[...])
    new = st_ref[...] + delta * dscale_ref[...]
    out = jnp.clip(new, lo_ref[...], hi_ref[...])
    rn = new[:, 3:7]
    msk = (lax.broadcasted_iota(jnp.int32, new.shape, 1) - 3).astype(jnp.uint32) < 4
    nrm = jnp.sqrt(jnp.sum(jnp.where(msk, new * new, 0.0), axis=1,
                           keepdims=True))
    xyz_o[...] = out[:, 0:3]
    rot_o[...] = rn / jnp.clip(nrm, 1e-12, None)
    col_o[...] = out[:, 7:10]
    sc_o[...] = out[:, 10:13]
    op_o[...] = out[:, 13:14]


def _heads(acc, dinv, b3, w1c, b1c, w2b, b2c, state, dscale, lo, hi):
    row = lambda i: (i, 0)
    full = lambda shp: pl.BlockSpec(shp, lambda i: (0, 0))
    return pl.pallas_call(
        _heads_body,
        grid=(N // BR,),
        in_specs=[
            pl.BlockSpec((2, BR, H), lambda i: (0, i, 0)),
            pl.BlockSpec((BR, 1), row),
            full((1, H)),
            full((H, 320)),
            full((1, 320)),
            full((320, 14)),
            full((1, 14)),
            pl.BlockSpec((BR, 14), row),
            full((1, 14)),
            full((1, 14)),
            full((1, 14)),
        ],
        out_specs=[
            pl.BlockSpec((BR, 3), row),
            pl.BlockSpec((BR, 4), row),
            pl.BlockSpec((BR, 3), row),
            pl.BlockSpec((BR, 3), row),
            pl.BlockSpec((BR, 1), row),
        ],
        out_shape=[
            jax.ShapeDtypeStruct((N, 3), jnp.float32),
            jax.ShapeDtypeStruct((N, 4), jnp.float32),
            jax.ShapeDtypeStruct((N, 3), jnp.float32),
            jax.ShapeDtypeStruct((N, 3), jnp.float32),
            jax.ShapeDtypeStruct((N, 1), jnp.float32),
        ],
    )(acc, dinv, b3, w1c, b1c, w2b, b2c, state, dscale, lo, hi)


def kernel(x, xyz, rot, color, scale, opacity, edge_index,
           W1, b1, W2, b2, W3, b3,
           Wp1, bp1, Wp2, bp2, Wr1, br1, Wr2, br2,
           Wc1, bc1, Wc2, bc2, Ws1, bs1, Ws2, bs2,
           Wo1, bo1, Wo2, bo2):
    src_r = edge_index[0].reshape(NW, NB, K)
    dst_r = edge_index[1].reshape(NW, NB, K)
    dst_d = edge_index[1].reshape(NS, NBD, K)
    ones_k = jnp.ones((K,), jnp.float32)
    zeros_d = jnp.zeros((DPT,), jnp.float32)
    zeros_rows = jnp.zeros((RPT, H), jnp.float32)
    w1x = W1[:288].astype(jnp.bfloat16)
    w1f = W1[288:].astype(jnp.bfloat16)

    w1c = jnp.concatenate(
        [Wp1, Wr1, Wc1, Ws1, Wo1], axis=1).astype(jnp.bfloat16)
    b1c = jnp.concatenate([bp1, br1, bc1, bs1, bo1])[None, :]
    w2b = jnp.zeros((320, 14), jnp.float32)
    w2b = w2b.at[0:64, 0:3].set(Wp2)
    w2b = w2b.at[64:128, 3:7].set(Wr2)
    w2b = w2b.at[128:192, 7:10].set(Wc2)
    w2b = w2b.at[192:256, 10:13].set(Ws2)
    w2b = w2b.at[256:320, 13:14].set(Wo2)
    w2b = w2b.astype(jnp.bfloat16)
    b2c = jnp.concatenate([bp2, br2, bc2, bs2, bo2])[None, :]

    degp1 = _deg_kernel(dst_d, ones_k, zeros_d)[:, None]

    scales = jnp.array([[10.0, 20.0, 30.0]], jnp.float32)
    z1p, dinv = _lin1(x, xyz, rot, color, scale, opacity, w1x, w1f,
                      scales, degp1)
    acc1 = _agg_kernel(z1p, src_r, dst_r, zeros_rows).reshape(NC, NPAD, H)
    z2p = _mid(acc1, dinv, b1[None, :], W2)
    acc2 = _agg_kernel(z2p, src_r, dst_r, zeros_rows).reshape(NC, NPAD, H)
    z3p = _mid(acc2, dinv, b2[None, :], W3)
    acc3 = _agg_kernel(z3p, src_r, dst_r, zeros_rows).reshape(NC, NPAD, H)
    state = jnp.concatenate([xyz, rot, color, scale, opacity], axis=1)
    inf = jnp.inf
    dscale = jnp.array([[0.1] * 3 + [1.0] * 4 + [1.0] * 3 + [0.1] * 3 + [1.0]],
                       jnp.float32)
    lo = jnp.array([[-inf] * 7 + [0.0] * 3 + [1e-6] * 3 + [0.0]], jnp.float32)
    hi = jnp.array([[inf] * 7 + [1.0] * 3 + [1000.0] * 3 + [1.0]], jnp.float32)
    return _heads(acc3, dinv, b3[None, :], w1c, b1c, w2b, b2c,
                  state, dscale, lo, hi)

# --- scband reference (transcript-rebuilt; emitter-appended) ---
"""Pipeline reference for scband-gaussian-updater-20229295964872 (READ-ONLY COPY).

The authoritative reference and input builder live on the scoring server;
editing this copy changes nothing except your own understanding.
"""

import jax, jax.numpy as jnp
import numpy as np

N = 10000
E = 160000
D_X = 288
D_IN = 302
H = 128


def _p(key, shape):
    return jax.random.normal(key, shape, dtype=jnp.float32) * 0.05


def setup_inputs(seed: int = 0) -> dict:
    key = jax.random.key(seed)
    ks = jax.random.split(key, 40)
    inp = {}
    inp["x"] = jax.random.normal(ks[0], (N, D_X), dtype=jnp.float32)
    inp["xyz"] = jax.random.normal(ks[1], (N, 3), dtype=jnp.float32)
    inp["rot"] = jax.random.normal(ks[2], (N, 4), dtype=jnp.float32)
    inp["color"] = jax.random.uniform(ks[3], (N, 3), dtype=jnp.float32)
    inp["scale"] = jax.random.uniform(ks[4], (N, 3), dtype=jnp.float32)
    inp["opacity"] = jax.random.uniform(ks[5], (N, 1), dtype=jnp.float32)
    inp["edge_index"] = jax.random.randint(ks[6], (2, E), 0, N, dtype=jnp.int32)
    inp["W1"] = _p(ks[7], (D_IN, H)); inp["b1"] = jnp.zeros((H,), jnp.float32)
    inp["W2"] = _p(ks[8], (H, H)); inp["b2"] = jnp.zeros((H,), jnp.float32)
    inp["W3"] = _p(ks[9], (H, H)); inp["b3"] = jnp.zeros((H,), jnp.float32)
    heads = [("p", 3), ("r", 4), ("c", 3), ("s", 3), ("o", 1)]
    for i, (nm, od) in enumerate(heads):
        inp["W" + nm + "1"] = _p(ks[10 + 2 * i], (H, 64))
        inp["b" + nm + "1"] = jnp.zeros((64,), jnp.float32)
        inp["W" + nm + "2"] = _p(ks[11 + 2 * i], (64, od))
        inp["b" + nm + "2"] = jnp.zeros((od,), jnp.float32)
    return inp


def _gcn(h, W, b, src, dst):
    n = h.shape[0]
    h = h @ W
    loop = jnp.arange(n, dtype=src.dtype)
    s = jnp.concatenate([src, loop])
    d = jnp.concatenate([dst, loop])
    deg = jnp.zeros((n,), h.dtype).at[d].add(1.0)
    dinv = jnp.where(deg > 0, jax.lax.rsqrt(deg), 0.0)
    norm = dinv[s] * dinv[d]
    out = jnp.zeros_like(h).at[d].add(h[s] * norm[:, None])
    return out + b


def _mlp(h, Wa, ba, Wb, bb):
    return jax.nn.relu(h @ Wa + ba) @ Wb + bb


def reference(x, xyz, rot, color, scale, opacity, edge_index,
              W1, b1, W2, b2, W3, b3,
              Wp1, bp1, Wp2, bp2, Wr1, br1, Wr2, br2,
              Wc1, bc1, Wc2, bc2, Ws1, bs1, Ws2, bs2,
              Wo1, bo1, Wo2, bo2):
    src, dst = edge_index[0], edge_index[1]
    pos_emb = jnp.concatenate([
        jnp.sin(xyz[:, 0:1] * 10.0),
        jnp.sin(xyz[:, 1:2] * 20.0),
        jnp.sin(xyz[:, 2:3] * 30.0),
    ], axis=-1)
    h = jnp.concatenate([x, pos_emb, rot, color, scale, opacity], axis=-1)
    h = jax.nn.relu(_gcn(h, W1, b1, src, dst))
    h = jax.nn.relu(_gcn(h, W2, b2, src, dst))
    h = jax.nn.relu(_gcn(h, W3, b3, src, dst))
    dxyz = _mlp(h, Wp1, bp1, Wp2, bp2)
    drot = _mlp(h, Wr1, br1, Wr2, br2)
    dcol = _mlp(h, Wc1, bc1, Wc2, bc2)
    dsc = _mlp(h, Ws1, bs1, Ws2, bs2)
    dop = _mlp(h, Wo1, bo1, Wo2, bo2)
    xyz_n = xyz + dxyz * 0.1
    rn = rot + drot
    rot_n = rn / jnp.clip(jnp.linalg.norm(rn, axis=-1, keepdims=True), 1e-12, None)
    color_n = jnp.clip(color + dcol, 0.0, 1.0)
    scale_n = jnp.clip(scale + dsc * 0.1, 1e-06, 1000.0)
    op_n = jnp.clip(opacity + dop, 0.0, 1.0)
    return (xyz_n, rot_n, color_n, scale_n, op_n)

if __name__ == "__main__":
    import jax
    _d = setup_inputs()
    print(jax.jit(kernel)(*tuple(_d.values())))

</pallas_src>

<mosaic_0001>
#map = affine_map<(d0, d1) -> (0, 0)>
#map1 = affine_map<(d0, d1) -> (0, 0, 0)>
module attributes {stable_mosaic.version = 14 : i64} {
  func.func @_agg_body(%arg0: i32, %arg1: i32, %arg2: memref<10240x128xf32, #tpu.memory_space<hbm>>, %arg3: memref<32x40x125xi32, #tpu.memory_space<hbm>>, %arg4: memref<32x40x125xi32, #tpu.memory_space<hbm>>, %arg5: memref<640x128xf32, #tpu.memory_space<hbm>>, %arg6: memref<20480x128xf32, #tpu.memory_space<hbm>>, %arg7: memref<40x125xi32, #tpu.memory_space<vmem>>, %arg8: memref<40x125xi32, #tpu.memory_space<vmem>>, %arg9: memref<125x128xf32, #tpu.memory_space<vmem>>, %arg10: memref<125x128xf32, #tpu.memory_space<vmem>>, %arg11: memref<10240x128xf32, #tpu.memory_space<vmem_shared>>, %arg12: memref<!tpu.dma_semaphore, #tpu.memory_space<semaphore_mem>>, %arg13: memref<!tpu.dma_semaphore, #tpu.memory_space<semaphore_mem>>) attributes {dimension_semantics = [#tpu.dimension_semantics<core_parallel>, #tpu.dimension_semantics<subcore_parallel>], iteration_bounds = array<i64: 2, 16>, scalar_prefetch = 0 : i64, scratch_operands = 7 : i64, tpu.core_type = #tpu.core_type<sc_vector_subcore>, window_params = [{transform_indices = #map}, {transform_indices = #map1}, {transform_indices = #map1}, {transform_indices = #map}, {transform_indices = #map}]} {
    %mul3A = arith.constant 16 : i32
    %mul3A_0 = arith.muli %arg0, %mul3A : i32
    %add3A = arith.addi %mul3A_0, %arg1 : i32
    "tpu.region"() ({
      %run_scoped3A = tpu.sem_alloc : memref<!tpu.dma_semaphore, #tpu.memory_space<semaphore_mem>>
      %dma_start3A_27 = arith.constant 0 : i32
      %dma_start3A_28 = arith.constant 0 : i32
      %dma_start3A_29 = tpu.memref_slice %arg3[%add3A, %dma_start3A_27, %dma_start3A_28] : memref<32x40x125xi32, #tpu.memory_space<hbm>> -> memref<1x40x125xi32, #tpu.memory_space<hbm>>
      %dma_start3A_30 = tpu.memref_squeeze %dma_start3A_29 : memref<1x40x125xi32, #tpu.memory_space<hbm>> -> memref<40x125xi32, #tpu.memory_space<hbm>>
      %dma_start3A_31 = arith.constant 0 : i32
      %dma_start3A_32 = arith.constant 0 : i32
      %dma_start3A_33 = tpu.memref_slice %arg3[%add3A, %dma_start3A_31, %dma_start3A_32] : memref<32x40x125xi32, #tpu.memory_space<hbm>> -> memref<1x40x125xi32, #tpu.memory_space<hbm>>
      %dma_start3A_34 = tpu.memref_squeeze %dma_start3A_33 : memref<1x40x125xi32, #tpu.memory_space<hbm>> -> memref<40x125xi32, #tpu.memory_space<hbm>>
      tpu.enqueue_dma source(%dma_start3A_34 : memref<40x125xi32, #tpu.memory_space<hbm>>) target(%arg7 : memref<40x125xi32, #tpu.memory_space<vmem>>) target_semaphore(%run_scoped3A : memref<!tpu.dma_semaphore, #tpu.memory_space<semaphore_mem>>)
      %dma_wait3A = arith.constant 0 : i32
      %dma_wait3A_35 = arith.constant 0 : i32
      %dma_wait3A_36 = tpu.memref_slice %arg3[%add3A, %dma_wait3A, %dma_wait3A_35] : memref<32x40x125xi32, #tpu.memory_space<hbm>> -> memref<1x40x125xi32, #tpu.memory_space<hbm>>
      %dma_wait3A_37 = tpu.memref_squeeze %dma_wait3A_36 : memref<1x40x125xi32, #tpu.memory_space<hbm>> -> memref<40x125xi32, #tpu.memory_space<hbm>>
      %dma_wait3A_38 = arith.constant 0 : i32
      %dma_wait3A_39 = arith.constant 0 : i32
      %dma_wait3A_40 = tpu.memref_slice %arg3[%add3A, %dma_wait3A_38, %dma_wait3A_39] : memref<32x40x125xi32, #tpu.memory_space<hbm>> -> memref<1x40x125xi32, #tpu.memory_space<hbm>>
      %dma_wait3A_41 = tpu.memref_squeeze %dma_wait3A_40 : memref<1x40x125xi32, #tpu.memory_space<hbm>> -> memref<40x125xi32, #tpu.memory_space<hbm>>
      tpu.wait_dma2 semaphore(%run_scoped3A : memref<!tpu.dma_semaphore, #tpu.memory_space<semaphore_mem>>) src(%dma_wait3A_41 : memref<40x125xi32, #tpu.memory_space<hbm>>) dst(%arg7 : memref<40x125xi32, #tpu.memory_space<vmem>>)
      tpu.yield
    }) : () -> ()
    "tpu.region"() ({
      %run_scoped3A = tpu.sem_alloc : memref<!tpu.dma_semaphore, #tpu.memory_space<semaphore_mem>>
      %dma_start3A_27 = arith.constant 0 : i32
      %dma_start3A_28 = arith.constant 0 : i32
      %dma_start3A_29 = tpu.memref_slice %arg4[%add3A, %dma_start3A_27, %dma_start3A_28] : memref<32x40x125xi32, #tpu.memory_space<hbm>> -> memref<1x40x125xi32, #tpu.memory_space<hbm>>
      %dma_start3A_30 = tpu.memref_squeeze %dma_start3A_29 : memref<1x40x125xi32, #tpu.memory_space<hbm>> -> memref<40x125xi32, #tpu.memory_space<hbm>>
      %dma_start3A_31 = arith.constant 0 : i32
      %dma_start3A_32 = arith.constant 0 : i32
      %dma_start3A_33 = tpu.memref_slice %arg4[%add3A, %dma_start3A_31, %dma_start3A_32] : memref<32x40x125xi32, #tpu.memory_space<hbm>> -> memref<1x40x125xi32, #tpu.memory_space<hbm>>
      %dma_start3A_34 = tpu.memref_squeeze %dma_start3A_33 : memref<1x40x125xi32, #tpu.memory_space<hbm>> -> memref<40x125xi32, #tpu.memory_space<hbm>>
      tpu.enqueue_dma source(%dma_start3A_34 : memref<40x125xi32, #tpu.memory_space<hbm>>) target(%arg8 : memref<40x125xi32, #tpu.memory_space<vmem>>) target_semaphore(%run_scoped3A : memref<!tpu.dma_semaphore, #tpu.memory_space<semaphore_mem>>)
      %dma_wait3A = arith.constant 0 : i32
      %dma_wait3A_35 = arith.constant 0 : i32
      %dma_wait3A_36 = tpu.memref_slice %arg4[%add3A, %dma_wait3A, %dma_wait3A_35] : memref<32x40x125xi32, #tpu.memory_space<hbm>> -> memref<1x40x125xi32, #tpu.memory_space<hbm>>
      %dma_wait3A_37 = tpu.memref_squeeze %dma_wait3A_36 : memref<1x40x125xi32, #tpu.memory_space<hbm>> -> memref<40x125xi32, #tpu.memory_space<hbm>>
      %dma_wait3A_38 = arith.constant 0 : i32
      %dma_wait3A_39 = arith.constant 0 : i32
      %dma_wait3A_40 = tpu.memref_slice %arg4[%add3A, %dma_wait3A_38, %dma_wait3A_39] : memref<32x40x125xi32, #tpu.memory_space<hbm>> -> memref<1x40x125xi32, #tpu.memory_space<hbm>>
      %dma_wait3A_41 = tpu.memref_squeeze %dma_wait3A_40 : memref<1x40x125xi32, #tpu.memory_space<hbm>> -> memref<40x125xi32, #tpu.memory_space<hbm>>
      tpu.wait_dma2 semaphore(%run_scoped3A : memref<!tpu.dma_semaphore, #tpu.memory_space<semaphore_mem>>) src(%dma_wait3A_41 : memref<40x125xi32, #tpu.memory_space<hbm>>) dst(%arg8 : memref<40x125xi32, #tpu.memory_space<vmem>>)
      tpu.yield
    }) : () -> ()
    %eq3A = arith.constant 0 : i32
    %eq3A_1 = arith.cmpi eq, %arg0, %eq3A : i32
    %convert_element_type3A = arith.extui %eq3A_1 : i1 to i32
    %cond3A = arith.constant 0 : i32
    %cond3A_2 = arith.cmpi ne, %convert_element_type3A, %cond3A : i32
    scf.if %cond3A_2 {
      %mul3A_27 = arith.constant 640 : i32
      %mul3A_28 = arith.muli %arg1, %mul3A_27 : i32
      %mul3A_29 = arith.constant 640 : i32
      %mul3A_30 = arith.muli %arg1, %mul3A_29 : i32
      "tpu.region"() ({
        %run_scoped3A = tpu.sem_alloc : memref<!tpu.dma_semaphore, #tpu.memory_space<semaphore_mem>>
        %dma_start3A_31 = arith.constant 0 : i32
        %dma_start3A_32 = tpu.memref_slice %arg11[%mul3A_30, %dma_start3A_31] : memref<10240x128xf32, #tpu.memory_space<vmem_shared>> -> memref<640x128xf32, #tpu.memory_space<vmem_shared>>
        %dma_start3A_33 = arith.constant 0 : i32
        %dma_start3A_34 = tpu.memref_slice %arg2[%mul3A_28, %dma_start3A_33] : memref<10240x128xf32, #tpu.memory_space<hbm>> -> memref<640x128xf32, #tpu.memory_space<hbm>>
        tpu.enqueue_dma source(%dma_start3A_34 : memref<640x128xf32, #tpu.memory_space<hbm>>) target(%dma_start3A_32 : memref<640x128xf32, #tpu.memory_space<vmem_shared>>) target_semaphore(%run_scoped3A : memref<!tpu.dma_semaphore, #tpu.memory_space<semaphore_mem>>)
        %dma_wait3A = arith.constant 0 : i32
        %dma_wait3A_35 = tpu.memref_slice %arg11[%mul3A_30, %dma_wait3A] : memref<10240x128xf32, #tpu.memory_space<vmem_shared>> -> memref<640x128xf32, #tpu.memory_space<vmem_shared>>
        %dma_wait3A_36 = arith.constant 0 : i32
        %dma_wait3A_37 = tpu.memref_slice %arg2[%mul3A_28, %dma_wait3A_36] : memref<10240x128xf32, #tpu.memory_space<hbm>> -> memref<640x128xf32, #tpu.memory_space<hbm>>
        tpu.wait_dma2 semaphore(%run_scoped3A : memref<!tpu.dma_semaphore, #tpu.memory_space<semaphore_mem>>) src(%dma_wait3A_37 : memref<640x128xf32, #tpu.memory_space<hbm>>) dst(%dma_wait3A_35 : memref<640x128xf32, #tpu.memory_space<vmem_shared>>)
        tpu.yield
      }) : () -> ()
    } else {
    }
    %eq3A_3 = arith.constant 1 : i32
    %eq3A_4 = arith.cmpi eq, %arg0, %eq3A_3 : i32
    %convert_element_type3A_5 = arith.extui %eq3A_4 : i1 to i32
    %cond3A_6 = arith.constant 0 : i32
    %cond3A_7 = arith.cmpi ne, %convert_element_type3A_5, %cond3A_6 : i32
    scf.if %cond3A_7 {
      %mul3A_27 = arith.constant 640 : i32
      %mul3A_28 = arith.muli %arg1, %mul3A_27 : i32
      "tpu.region"() ({
        %run_scoped3A = tpu.sem_alloc : memref<!tpu.dma_semaphore, #tpu.memory_space<semaphore_mem>>
        %dma_start3A_29 = arith.constant 0 : i32
        %dma_start3A_30 = tpu.memref_slice %arg11[%mul3A_28, %dma_start3A_29] : memref<10240x128xf32, #tpu.memory_space<vmem_shared>> -> memref<640x128xf32, #tpu.memory_space<vmem_shared>>
        tpu.enqueue_dma source(%arg5 : memref<640x128xf32, #tpu.memory_space<hbm>>) target(%dma_start3A_30 : memref<640x128xf32, #tpu.memory_space<vmem_shared>>) target_semaphore(%run_scoped3A : memref<!tpu.dma_semaphore, #tpu.memory_space<semaphore_mem>>)
        %dma_wait3A = arith.constant 0 : i32
        %dma_wait3A_31 = tpu.memref_slice %arg11[%mul3A_28, %dma_wait3A] : memref<10240x128xf32, #tpu.memory_space<vmem_shared>> -> memref<640x128xf32, #tpu.memory_space<vmem_shared>>
        tpu.wait_dma2 semaphore(%run_scoped3A : memref<!tpu.dma_semaphore, #tpu.memory_space<semaphore_mem>>) src(%arg5 : memref<640x128xf32, #tpu.memory_space<hbm>>) dst(%dma_wait3A_31 : memref<640x128xf32, #tpu.memory_space<vmem_shared>>)
        tpu.yield
      }) : () -> ()
    } else {
    }
    %barrier3A = arith.constant 0 : index
    tpu.barrier barrier_id(%barrier3A)
    %dma_start3A = arith.constant 0 : i32
    %dma_start3A_8 = arith.constant 0 : i32
    %dma_start3A_9 = tpu.memref_slice %arg7[%dma_start3A, %dma_start3A_8] : memref<40x125xi32, #tpu.memory_space<vmem>> -> memref<1x125xi32, #tpu.memory_space<vmem>>
    %dma_start3A_10 = tpu.memref_squeeze %dma_start3A_9 : memref<1x125xi32, #tpu.memory_space<vmem>> -> memref<125xi32, #tpu.memory_space<vmem>>
    %dma_start3A_11 = arith.constant 0 : i32
    %dma_start3A_12 = arith.constant 0 : i32
    %dma_start3A_13 = tpu.memref_slice %arg2[%dma_start3A_11, %dma_start3A_12] : memref<10240x128xf32, #tpu.memory_space<hbm>> -> memref<10240x128xf32, #tpu.memory_space<hbm>>
    tpu.enqueue_indirect_dma source(%dma_start3A_13 : memref<10240x128xf32, #tpu.memory_space<hbm>>) target(%arg9 : memref<125x128xf32, #tpu.memory_space<vmem>>) offsets(%dma_start3A_10 : memref<125xi32, #tpu.memory_space<vmem>>) semaphore(%arg12 : memref<!tpu.dma_semaphore, #tpu.memory_space<semaphore_mem>>)
    %scan3A = arith.constant 0 : i32
    %scan3A_14 = arith.constant 0 : i32
    %scan3A_15 = arith.constant 20 : i32
    %scan3A_16 = arith.addi %scan3A_14, %scan3A_15 : i32
    %scan3A_17 = arith.constant 1 : i32
    scf.for %scan3A_27 = %scan3A_14 to %scan3A_16 step %scan3A_17  : i32 {
      %mul3A_28 = arith.constant 2 : i32
      %mul3A_29 = arith.muli %mul3A_28, %scan3A_27 : i32
      %dma_wait3A = arith.constant 0 : i32
      %dma_wait3A_30 = tpu.memref_slice %arg7[%mul3A_29, %dma_wait3A] : memref<40x125xi32, #tpu.memory_space<vmem>> -> memref<1x125xi32, #tpu.memory_space<vmem>>
      %dma_wait3A_31 = tpu.memref_squeeze %dma_wait3A_30 : memref<1x125xi32, #tpu.memory_space<vmem>> -> memref<125xi32, #tpu.memory_space<vmem>>
      %dma_wait3A_32 = arith.constant 0 : i32
      %dma_wait3A_33 = arith.constant 0 : i32
      %dma_wait3A_34 = tpu.memref_slice %arg2[%dma_wait3A_32, %dma_wait3A_33] : memref<10240x128xf32, #tpu.memory_space<hbm>> -> memref<10240x128xf32, #tpu.memory_space<hbm>>
      tpu.wait_indirect_dma semaphore(%arg12 : memref<!tpu.dma_semaphore, #tpu.memory_space<semaphore_mem>>) src(%dma_wait3A_34 : memref<10240x128xf32, #tpu.memory_space<hbm>>) dst(%arg9 : memref<125x128xf32, #tpu.memory_space<vmem>>)
      %add3A_35 = arith.constant 1 : i32
      %add3A_36 = arith.addi %mul3A_29, %add3A_35 : i32
      %dma_start3A_37 = arith.constant 0 : i32
      %dma_start3A_38 = tpu.memref_slice %arg7[%add3A_36, %dma_start3A_37] : memref<40x125xi32, #tpu.memory_space<vmem>> -> memref<1x125xi32, #tpu.memory_space<vmem>>
      %dma_start3A_39 = tpu.memref_squeeze %dma_start3A_38 : memref<1x125xi32, #tpu.memory_space<vmem>> -> memref<125xi32, #tpu.memory_space<vmem>>
      %dma_start3A_40 = arith.constant 0 : i32
      %dma_start3A_41 = arith.constant 0 : i32
      %dma_start3A_42 = tpu.memref_slice %arg2[%dma_start3A_40, %dma_start3A_41] : memref<10240x128xf32, #tpu.memory_space<hbm>> -> memref<10240x128xf32, #tpu.memory_space<hbm>>
      tpu.enqueue_indirect_dma source(%dma_start3A_42 : memref<10240x128xf32, #tpu.memory_space<hbm>>) target(%arg10 : memref<125x128xf32, #tpu.memory_space<vmem>>) offsets(%dma_start3A_39 : memref<125xi32, #tpu.memory_space<vmem>>) semaphore(%arg13 : memref<!tpu.dma_semaphore, #tpu.memory_space<semaphore_mem>>)
      "tpu.region"() ({
        %run_scoped3A = tpu.sem_alloc : memref<!tpu.dma_semaphore, #tpu.memory_space<semaphore_mem>>
        %dma_start3A_57 = arith.constant 0 : i32
        %dma_start3A_58 = tpu.memref_slice %arg8[%mul3A_29, %dma_start3A_57] : memref<40x125xi32, #tpu.memory_space<vmem>> -> memref<1x125xi32, #tpu.memory_space<vmem>>
        %dma_start3A_59 = tpu.memref_squeeze %dma_start3A_58 : memref<1x125xi32, #tpu.memory_space<vmem>> -> memref<125xi32, #tpu.memory_space<vmem>>
        %dma_start3A_60 = arith.constant 0 : i32
        %dma_start3A_61 = arith.constant 0 : i32
        %dma_start3A_62 = tpu.memref_slice %arg11[%dma_start3A_60, %dma_start3A_61] : memref<10240x128xf32, #tpu.memory_space<vmem_shared>> -> memref<10240x128xf32, #tpu.memory_space<vmem_shared>>
        tpu.enqueue_indirect_dma source(%arg9 : memref<125x128xf32, #tpu.memory_space<vmem>>) target(%dma_start3A_62 : memref<10240x128xf32, #tpu.memory_space<vmem_shared>>) offsets(%dma_start3A_59 : memref<125xi32, #tpu.memory_space<vmem>>) semaphore(%run_scoped3A : memref<!tpu.dma_semaphore, #tpu.memory_space<semaphore_mem>>) {add = true}
        %dma_wait3A_63 = arith.constant 0 : i32
        %dma_wait3A_64 = tpu.memref_slice %arg8[%mul3A_29, %dma_wait3A_63] : memref<40x125xi32, #tpu.memory_space<vmem>> -> memref<1x125xi32, #tpu.memory_space<vmem>>
        %dma_wait3A_65 = tpu.memref_squeeze %dma_wait3A_64 : memref<1x125xi32, #tpu.memory_space<vmem>> -> memref<125xi32, #tpu.memory_space<vmem>>
        %dma_wait3A_66 = arith.constant 0 : i32
        %dma_wait3A_67 = arith.constant 0 : i32
        %dma_wait3A_68 = tpu.memref_slice %arg11[%dma_wait3A_66, %dma_wait3A_67] : memref<10240x128xf32, #tpu.memory_space<vmem_shared>> -> memref<10240x128xf32, #tpu.memory_space<vmem_shared>>
        tpu.wait_indirect_dma semaphore(%run_scoped3A : memref<!tpu.dma_semaphore, #tpu.memory_space<semaphore_mem>>) src(%arg9 : memref<125x128xf32, #tpu.memory_space<vmem>>) dst(%dma_wait3A_68 : memref<10240x128xf32, #tpu.memory_space<vmem_shared>>)
        tpu.yield
      }) : () -> ()
      %add3A_43 = arith.constant 1 : i32
      %add3A_44 = arith.addi %mul3A_29, %add3A_43 : i32
      %dma_wait3A_45 = arith.constant 0 : i32
      %dma_wait3A_46 = tpu.memref_slice %arg7[%add3A_44, %dma_wait3A_45] : memref<40x125xi32, #tpu.memory_space<vmem>> -> memref<1x125xi32, #tpu.memory_space<vmem>>
      %dma_wait3A_47 = tpu.memref_squeeze %dma_wait3A_46 : memref<1x125xi32, #tpu.memory_space<vmem>> -> memref<125xi32, #tpu.memory_space<vmem>>
      %dma_wait3A_48 = arith.constant 0 : i32
      %dma_wait3A_49 = arith.constant 0 : i32
      %dma_wait3A_50 = tpu.memref_slice %arg2[%dma_wait3A_48, %dma_wait3A_49] : memref<10240x128xf32, #tpu.memory_space<hbm>> -> memref<10240x128xf32, #tpu.memory_space<hbm>>
      tpu.wait_indirect_dma semaphore(%arg13 : memref<!tpu.dma_semaphore, #tpu.memory_space<semaphore_mem>>) src(%dma_wait3A_50 : memref<10240x128xf32, #tpu.memory_space<hbm>>) dst(%arg10 : memref<125x128xf32, #tpu.memory_space<vmem>>)
      %lt3A = arith.constant 19 : i32
      %lt3A_51 = arith.cmpi slt, %scan3A_27, %lt3A : i32
      %convert_element_type3A_52 = arith.extui %lt3A_51 : i1 to i32
      %cond3A_53 = arith.constant 0 : i32
      %cond3A_54 = arith.cmpi ne, %convert_element_type3A_52, %cond3A_53 : i32
      scf.if %cond3A_54 {
        %add3A_57 = arith.constant 2 : i32
        %add3A_58 = arith.addi %mul3A_29, %add3A_57 : i32
        %dma_start3A_59 = arith.constant 0 : i32
        %dma_start3A_60 = tpu.memref_slice %arg7[%add3A_58, %dma_start3A_59] : memref<40x125xi32, #tpu.memory_space<vmem>> -> memref<1x125xi32, #tpu.memory_space<vmem>>
        %dma_start3A_61 = tpu.memref_squeeze %dma_start3A_60 : memref<1x125xi32, #tpu.memory_space<vmem>> -> memref<125xi32, #tpu.memory_space<vmem>>
        %dma_start3A_62 = arith.constant 0 : i32
        %dma_start3A_63 = arith.constant 0 : i32
        %dma_start3A_64 = tpu.memref_slice %arg2[%dma_start3A_62, %dma_start3A_63] : memref<10240x128xf32, #tpu.memory_space<hbm>> -> memref<10240x128xf32, #tpu.memory_space<hbm>>
        tpu.enqueue_indirect_dma source(%dma_start3A_64 : memref<10240x128xf32, #tpu.memory_space<hbm>>) target(%arg9 : memref<125x128xf32, #tpu.memory_space<vmem>>) offsets(%dma_start3A_61 : memref<125xi32, #tpu.memory_space<vmem>>) semaphore(%arg12 : memref<!tpu.dma_semaphore, #tpu.memory_space<semaphore_mem>>)
      } else {
      }
      %add3A_55 = arith.constant 1 : i32
      %add3A_56 = arith.addi %mul3A_29, %add3A_55 : i32
      "tpu.region"() ({
        %run_scoped3A = tpu.sem_alloc : memref<!tpu.dma_semaphore, #tpu.memory_space<semaphore_mem>>
        %dma_start3A_57 = arith.constant 0 : i32
        %dma_start3A_58 = tpu.memref_slice %arg8[%add3A_56, %dma_start3A_57] : memref<40x125xi32, #tpu.memory_space<vmem>> -> memref<1x125xi32, #tpu.memory_space<vmem>>
        %dma_start3A_59 = tpu.memref_squeeze %dma_start3A_58 : memref<1x125xi32, #tpu.memory_space<vmem>> -> memref<125xi32, #tpu.memory_space<vmem>>
        %dma_start3A_60 = arith.constant 0 : i32
        %dma_start3A_61 = arith.constant 0 : i32
        %dma_start3A_62 = tpu.memref_slice %arg11[%dma_start3A_60, %dma_start3A_61] : memref<10240x128xf32, #tpu.memory_space<vmem_shared>> -> memref<10240x128xf32, #tpu.memory_space<vmem_shared>>
        tpu.enqueue_indirect_dma source(%arg10 : memref<125x128xf32, #tpu.memory_space<vmem>>) target(%dma_start3A_62 : memref<10240x128xf32, #tpu.memory_space<vmem_shared>>) offsets(%dma_start3A_59 : memref<125xi32, #tpu.memory_space<vmem>>) semaphore(%run_scoped3A : memref<!tpu.dma_semaphore, #tpu.memory_space<semaphore_mem>>) {add = true}
        %dma_wait3A_63 = arith.constant 0 : i32
        %dma_wait3A_64 = tpu.memref_slice %arg8[%add3A_56, %dma_wait3A_63] : memref<40x125xi32, #tpu.memory_space<vmem>> -> memref<1x125xi32, #tpu.memory_space<vmem>>
        %dma_wait3A_65 = tpu.memref_squeeze %dma_wait3A_64 : memref<1x125xi32, #tpu.memory_space<vmem>> -> memref<125xi32, #tpu.memory_space<vmem>>
        %dma_wait3A_66 = arith.constant 0 : i32
        %dma_wait3A_67 = arith.constant 0 : i32
        %dma_wait3A_68 = tpu.memref_slice %arg11[%dma_wait3A_66, %dma_wait3A_67] : memref<10240x128xf32, #tpu.memory_space<vmem_shared>> -> memref<10240x128xf32, #tpu.memory_space<vmem_shared>>
        tpu.wait_indirect_dma semaphore(%run_scoped3A : memref<!tpu.dma_semaphore, #tpu.memory_space<semaphore_mem>>) src(%arg10 : memref<125x128xf32, #tpu.memory_space<vmem>>) dst(%dma_wait3A_68 : memref<10240x128xf32, #tpu.memory_space<vmem_shared>>)
        tpu.yield
      }) : () -> ()
    }
    %scan3A_18 = arith.constant 20 : i32
    %barrier3A_19 = arith.constant 0 : index
    tpu.barrier barrier_id(%barrier3A_19)
    %mul3A_20 = arith.constant 10240 : i32
    %mul3A_21 = arith.muli %arg0, %mul3A_20 : i32
    %mul3A_22 = arith.constant 640 : i32
    %mul3A_23 = arith.muli %arg1, %mul3A_22 : i32
    %add3A_24 = arith.addi %mul3A_21, %mul3A_23 : i32
    %mul3A_25 = arith.constant 640 : i32
    %mul3A_26 = arith.muli %arg1, %mul3A_25 : i32
    "tpu.region"() ({
      %run_scoped3A = tpu.sem_alloc : memref<!tpu.dma_semaphore, #tpu.memory_space<semaphore_mem>>
      %dma_start3A_27 = arith.constant 0 : i32
      %dma_start3A_28 = tpu.memref_slice %arg6[%add3A_24, %dma_start3A_27] : memref<20480x128xf32, #tpu.memory_space<hbm>> -> memref<640x128xf32, #tpu.memory_space<hbm>>
      %dma_start3A_29 = arith.constant 0 : i32
      %dma_start3A_30 = tpu.memref_slice %arg11[%mul3A_26, %dma_start3A_29] : memref<10240x128xf32, #tpu.memory_space<vmem_shared>> -> memref<640x128xf32, #tpu.memory_space<vmem_shared>>
      tpu.enqueue_dma source(%dma_start3A_30 : memref<640x128xf32, #tpu.memory_space<vmem_shared>>) target(%dma_start3A_28 : memref<640x128xf32, #tpu.memory_space<hbm>>) target_semaphore(%run_scoped3A : memref<!tpu.dma_semaphore, #tpu.memory_space<semaphore_mem>>)
      %dma_wait3A = arith.constant 0 : i32
      %dma_wait3A_31 = tpu.memref_slice %arg6[%add3A_24, %dma_wait3A] : memref<20480x128xf32, #tpu.memory_space<hbm>> -> memref<640x128xf32, #tpu.memory_space<hbm>>
      %dma_wait3A_32 = arith.constant 0 : i32
      %dma_wait3A_33 = tpu.memref_slice %arg11[%mul3A_26, %dma_wait3A_32] : memref<10240x128xf32, #tpu.memory_space<vmem_shared>> -> memref<640x128xf32, #tpu.memory_space<vmem_shared>>
      tpu.wait_dma2 semaphore(%run_scoped3A : memref<!tpu.dma_semaphore, #tpu.memory_space<semaphore_mem>>) src(%dma_wait3A_33 : memref<640x128xf32, #tpu.memory_space<vmem_shared>>) dst(%dma_wait3A_31 : memref<640x128xf32, #tpu.memory_space<hbm>>)
      tpu.yield
    }) : () -> ()
    return
  }
}

#map = affine_map<(d0, d1) -> (0, 0, 0)>
#map1 = affine_map<(d0, d1) -> (0)>
module attributes {stable_mosaic.version = 14 : i64} {
  func.func @_deg_body(%arg0: i32, %arg1: i32, %arg2: memref<16x80x125xi32, #tpu.memory_space<hbm>>, %arg3: memref<125xf32, #tpu.memory_space<hbm>>, %arg4: memref<640xf32, #tpu.memory_space<hbm>>, %arg5: memref<10240xf32, #tpu.memory_space<hbm>>, %arg6: memref<80x125xi32, #tpu.memory_space<vmem>>, %arg7: memref<125xf32, #tpu.memory_space<vmem>>, %arg8: memref<10240xf32, #tpu.memory_space<vmem_shared>>, %arg9: memref<!tpu.dma_semaphore, #tpu.memory_space<semaphore_mem>>) attributes {dimension_semantics = [#tpu.dimension_semantics<core_parallel>, #tpu.dimension_semantics<subcore_parallel>], iteration_bounds = array<i64: 2, 16>, scalar_prefetch = 0 : i64, scratch_operands = 4 : i64, tpu.core_type = #tpu.core_type<sc_vector_subcore>, window_params = [{transform_indices = #map}, {transform_indices = #map1}, {transform_indices = #map1}, {transform_indices = #map1}]} {
    %eq3A = arith.constant 0 : i32
    %eq3A_0 = arith.cmpi eq, %arg0, %eq3A : i32
    %convert_element_type3A = arith.extui %eq3A_0 : i1 to i32
    %cond3A = arith.constant 0 : i32
    %cond3A_1 = arith.cmpi ne, %convert_element_type3A, %cond3A : i32
    scf.if %cond3A_1 {
      "tpu.region"() ({
        %run_scoped3A = tpu.sem_alloc : memref<!tpu.dma_semaphore, #tpu.memory_space<semaphore_mem>>
        %dma_start3A = arith.constant 0 : i32
        %dma_start3A_13 = arith.constant 0 : i32
        %dma_start3A_14 = tpu.memref_slice %arg2[%arg1, %dma_start3A, %dma_start3A_13] : memref<16x80x125xi32, #tpu.memory_space<hbm>> -> memref<1x80x125xi32, #tpu.memory_space<hbm>>
        %dma_start3A_15 = tpu.memref_squeeze %dma_start3A_14 : memref<1x80x125xi32, #tpu.memory_space<hbm>> -> memref<80x125xi32, #tpu.memory_space<hbm>>
        %dma_start3A_16 = arith.constant 0 : i32
        %dma_start3A_17 = arith.constant 0 : i32
        %dma_start3A_18 = tpu.memref_slice %arg2[%arg1, %dma_start3A_16, %dma_start3A_17] : memref<16x80x125xi32, #tpu.memory_space<hbm>> -> memref<1x80x125xi32, #tpu.memory_space<hbm>>
        %dma_start3A_19 = tpu.memref_squeeze %dma_start3A_18 : memref<1x80x125xi32, #tpu.memory_space<hbm>> -> memref<80x125xi32, #tpu.memory_space<hbm>>
        tpu.enqueue_dma source(%dma_start3A_19 : memref<80x125xi32, #tpu.memory_space<hbm>>) target(%arg6 : memref<80x125xi32, #tpu.memory_space<vmem>>) target_semaphore(%run_scoped3A : memref<!tpu.dma_semaphore, #tpu.memory_space<semaphore_mem>>)
        %dma_wait3A = arith.constant 0 : i32
        %dma_wait3A_20 = arith.constant 0 : i32
        %dma_wait3A_21 = tpu.memref_slice %arg2[%arg1, %dma_wait3A, %dma_wait3A_20] : memref<16x80x125xi32, #tpu.memory_space<hbm>> -> memref<1x80x125xi32, #tpu.memory_space<hbm>>
        %dma_wait3A_22 = tpu.memref_squeeze %dma_wait3A_21 : memref<1x80x125xi32, #tpu.memory_space<hbm>> -> memref<80x125xi32, #tpu.memory_space<hbm>>
        %dma_wait3A_23 = arith.constant 0 : i32
        %dma_wait3A_24 = arith.constant 0 : i32
        %dma_wait3A_25 = tpu.memref_slice %arg2[%arg1, %dma_wait3A_23, %dma_wait3A_24] : memref<16x80x125xi32, #tpu.memory_space<hbm>> -> memref<1x80x125xi32, #tpu.memory_space<hbm>>
        %dma_wait3A_26 = tpu.memref_squeeze %dma_wait3A_25 : memref<1x80x125xi32, #tpu.memory_space<hbm>> -> memref<80x125xi32, #tpu.memory_space<hbm>>
        tpu.wait_dma2 semaphore(%run_scoped3A : memref<!tpu.dma_semaphore, #tpu.memory_space<semaphore_mem>>) src(%dma_wait3A_26 : memref<80x125xi32, #tpu.memory_space<hbm>>) dst(%arg6 : memref<80x125xi32, #tpu.memory_space<vmem>>)
        tpu.yield
      }) : () -> ()
      "tpu.region"() ({
        %run_scoped3A = tpu.sem_alloc : memref<!tpu.dma_semaphore, #tpu.memory_space<semaphore_mem>>
        tpu.enqueue_dma source(%arg3 : memref<125xf32, #tpu.memory_space<hbm>>) target(%arg7 : memref<125xf32, #tpu.memory_space<vmem>>) target_semaphore(%run_scoped3A : memref<!tpu.dma_semaphore, #tpu.memory_space<semaphore_mem>>)
        tpu.wait_dma2 semaphore(%run_scoped3A : memref<!tpu.dma_semaphore, #tpu.memory_space<semaphore_mem>>) src(%arg3 : memref<125xf32, #tpu.memory_space<hbm>>) dst(%arg7 : memref<125xf32, #tpu.memory_space<vmem>>)
        tpu.yield
      }) : () -> ()
      %mul3A = arith.constant 640 : i32
      %mul3A_2 = arith.muli %arg1, %mul3A : i32
      "tpu.region"() ({
        %run_scoped3A = tpu.sem_alloc : memref<!tpu.dma_semaphore, #tpu.memory_space<semaphore_mem>>
        %dma_start3A = tpu.memref_slice %arg8[%mul3A_2] : memref<10240xf32, #tpu.memory_space<vmem_shared>> -> memref<640xf32, #tpu.memory_space<vmem_shared>>
        tpu.enqueue_dma source(%arg4 : memref<640xf32, #tpu.memory_space<hbm>>) target(%dma_start3A : memref<640xf32, #tpu.memory_space<vmem_shared>>) target_semaphore(%run_scoped3A : memref<!tpu.dma_semaphore, #tpu.memory_space<semaphore_mem>>)
        %dma_wait3A = tpu.memref_slice %arg8[%mul3A_2] : memref<10240xf32, #tpu.memory_space<vmem_shared>> -> memref<640xf32, #tpu.memory_space<vmem_shared>>
        tpu.wait_dma2 semaphore(%run_scoped3A : memref<!tpu.dma_semaphore, #tpu.memory_space<semaphore_mem>>) src(%arg4 : memref<640xf32, #tpu.memory_space<hbm>>) dst(%dma_wait3A : memref<640xf32, #tpu.memory_space<vmem_shared>>)
        tpu.yield
      }) : () -> ()
      %barrier3A = arith.constant 0 : index
      tpu.barrier barrier_id(%barrier3A)
      %scan3A = arith.constant 0 : i32
      %scan3A_3 = arith.constant 0 : i32
      %scan3A_4 = arith.constant 80 : i32
      %scan3A_5 = arith.addi %scan3A_3, %scan3A_4 : i32
      %scan3A_6 = arith.constant 1 : i32
      scf.for %scan3A_13 = %scan3A_3 to %scan3A_5 step %scan3A_6  : i32 {
        "tpu.region"() ({
          %run_scoped3A = tpu.sem_alloc : memref<!tpu.dma_semaphore, #tpu.memory_space<semaphore_mem>>
          %dma_start3A = arith.constant 0 : i32
          %dma_start3A_14 = tpu.memref_slice %arg6[%scan3A_13, %dma_start3A] : memref<80x125xi32, #tpu.memory_space<vmem>> -> memref<1x125xi32, #tpu.memory_space<vmem>>
          %dma_start3A_15 = tpu.memref_squeeze %dma_start3A_14 : memref<1x125xi32, #tpu.memory_space<vmem>> -> memref<125xi32, #tpu.memory_space<vmem>>
          %dma_start3A_16 = arith.constant 0 : i32
          %dma_start3A_17 = tpu.memref_slice %arg8[%dma_start3A_16] : memref<10240xf32, #tpu.memory_space<vmem_shared>> -> memref<10240xf32, #tpu.memory_space<vmem_shared>>
          tpu.enqueue_indirect_dma source(%arg7 : memref<125xf32, #tpu.memory_space<vmem>>) target(%dma_start3A_17 : memref<10240xf32, #tpu.memory_space<vmem_shared>>) offsets(%dma_start3A_15 : memref<125xi32, #tpu.memory_space<vmem>>) semaphore(%run_scoped3A : memref<!tpu.dma_semaphore, #tpu.memory_space<semaphore_mem>>) {add = true}
          %dma_wait3A = arith.constant 0 : i32
          %dma_wait3A_18 = tpu.memref_slice %arg6[%scan3A_13, %dma_wait3A] : memref<80x125xi32, #tpu.memory_space<vmem>> -> memref<1x125xi32, #tpu.memory_space<vmem>>
          %dma_wait3A_19 = tpu.memref_squeeze %dma_wait3A_18 : memref<1x125xi32, #tpu.memory_space<vmem>> -> memref<125xi32, #tpu.memory_space<vmem>>
          %dma_wait3A_20 = arith.constant 0 : i32
          %dma_wait3A_21 = tpu.memref_slice %arg8[%dma_wait3A_20] : memref<10240xf32, #tpu.memory_space<vmem_shared>> -> memref<10240xf32, #tpu.memory_space<vmem_shared>>
          tpu.wait_indirect_dma semaphore(%run_scoped3A : memref<!tpu.dma_semaphore, #tpu.memory_space<semaphore_mem>>) src(%arg7 : memref<125xf32, #tpu.memory_space<vmem>>) dst(%dma_wait3A_21 : memref<10240xf32, #tpu.memory_space<vmem_shared>>)
          tpu.yield
        }) : () -> ()
      }
      %scan3A_7 = arith.constant 80 : i32
      %barrier3A_8 = arith.constant 0 : index
      tpu.barrier barrier_id(%barrier3A_8)
      %mul3A_9 = arith.constant 640 : i32
      %mul3A_10 = arith.muli %arg1, %mul3A_9 : i32
      %mul3A_11 = arith.constant 640 : i32
      %mul3A_12 = arith.muli %arg1, %mul3A_11 : i32
      "tpu.region"() ({
        %run_scoped3A = tpu.sem_alloc : memref<!tpu.dma_semaphore, #tpu.memory_space<semaphore_mem>>
        %dma_start3A = tpu.memref_slice %arg5[%mul3A_12] : memref<10240xf32, #tpu.memory_space<hbm>> -> memref<640xf32, #tpu.memory_space<hbm>>
        %dma_start3A_13 = tpu.memref_slice %arg8[%mul3A_10] : memref<10240xf32, #tpu.memory_space<vmem_shared>> -> memref<640xf32, #tpu.memory_space<vmem_shared>>
        tpu.enqueue_dma source(%dma_start3A_13 : memref<640xf32, #tpu.memory_space<vmem_shared>>) target(%dma_start3A : memref<640xf32, #tpu.memory_space<hbm>>) target_semaphore(%run_scoped3A : memref<!tpu.dma_semaphore, #tpu.memory_space<semaphore_mem>>)
        %dma_wait3A = tpu.memref_slice %arg5[%mul3A_12] : memref<10240xf32, #tpu.memory_space<hbm>> -> memref<640xf32, #tpu.memory_space<hbm>>
        %dma_wait3A_14 = tpu.memref_slice %arg8[%mul3A_10] : memref<10240xf32, #tpu.memory_space<vmem_shared>> -> memref<640xf32, #tpu.memory_space<vmem_shared>>
        tpu.wait_dma2 semaphore(%run_scoped3A : memref<!tpu.dma_semaphore, #tpu.memory_space<semaphore_mem>>) src(%dma_wait3A_14 : memref<640xf32, #tpu.memory_space<vmem_shared>>) dst(%dma_wait3A : memref<640xf32, #tpu.memory_space<hbm>>)
        tpu.yield
      }) : () -> ()
    } else {
    }
    return
  }
}

#map = affine_map<(d0, d1) -> (0, 0)>
#map1 = affine_map<(d0, d1) -> (0, 0, 0)>
module attributes {stable_mosaic.version = 14 : i64} {
  func.func @_agg_body(%arg0: i32, %arg1: i32, %arg2: memref<10240x128xf32, #tpu.memory_space<hbm>>, %arg3: memref<32x40x125xi32, #tpu.memory_space<hbm>>, %arg4: memref<32x40x125xi32, #tpu.memory_space<hbm>>, %arg5: memref<640x128xf32, #tpu.memory_space<hbm>>, %arg6: memref<20480x128xf32, #tpu.memory_space<hbm>>, %arg7: memref<40x125xi32, #tpu.memory_space<vmem>>, %arg8: memref<40x125xi32, #tpu.memory_space<vmem>>, %arg9: memref<125x128xf32, #tpu.memory_space<vmem>>, %arg10: memref<125x128xf32, #tpu.memory_space<vmem>>, %arg11: memref<10240x128xf32, #tpu.memory_space<vmem_shared>>, %arg12: memref<!tpu.dma_semaphore, #tpu.memory_space<semaphore_mem>>, %arg13: memref<!tpu.dma_semaphore, #tpu.memory_space<semaphore_mem>>) attributes {dimension_semantics = [#tpu.dimension_semantics<core_parallel>, #tpu.dimension_semantics<subcore_parallel>], iteration_bounds = array<i64: 2, 16>, scalar_prefetch = 0 : i64, scratch_operands = 7 : i64, tpu.core_type = #tpu.core_type<sc_vector_subcore>, window_params = [{transform_indices = #map}, {transform_indices = #map1}, {transform_indices = #map1}, {transform_indices = #map}, {transform_indices = #map}]} {
    %mul3A = arith.constant 16 : i32
    %mul3A_0 = arith.muli %arg0, %mul3A : i32
    %add3A = arith.addi %mul3A_0, %arg1 : i32
    "tpu.region"() ({
      %run_scoped3A = tpu.sem_alloc : memref<!tpu.dma_semaphore, #tpu.memory_space<semaphore_mem>>
      %dma_start3A_27 = arith.constant 0 : i32
      %dma_start3A_28 = arith.constant 0 : i32
      %dma_start3A_29 = tpu.memref_slice %arg3[%add3A, %dma_start3A_27, %dma_start3A_28] : memref<32x40x125xi32, #tpu.memory_space<hbm>> -> memref<1x40x125xi32, #tpu.memory_space<hbm>>
      %dma_start3A_30 = tpu.memref_squeeze %dma_start3A_29 : memref<1x40x125xi32, #tpu.memory_space<hbm>> -> memref<40x125xi32, #tpu.memory_space<hbm>>
      %dma_start3A_31 = arith.constant 0 : i32
      %dma_start3A_32 = arith.constant 0 : i32
      %dma_start3A_33 = tpu.memref_slice %arg3[%add3A, %dma_start3A_31, %dma_start3A_32] : memref<32x40x125xi32, #tpu.memory_space<hbm>> -> memref<1x40x125xi32, #tpu.memory_space<hbm>>
      %dma_start3A_34 = tpu.memref_squeeze %dma_start3A_33 : memref<1x40x125xi32, #tpu.memory_space<hbm>> -> memref<40x125xi32, #tpu.memory_space<hbm>>
      tpu.enqueue_dma source(%dma_start3A_34 : memref<40x125xi32, #tpu.memory_space<hbm>>) target(%arg7 : memref<40x125xi32, #tpu.memory_space<vmem>>) target_semaphore(%run_scoped3A : memref<!tpu.dma_semaphore, #tpu.memory_space<semaphore_mem>>)
      %dma_wait3A = arith.constant 0 : i32
      %dma_wait3A_35 = arith.constant 0 : i32
      %dma_wait3A_36 = tpu.memref_slice %arg3[%add3A, %dma_wait3A, %dma_wait3A_35] : memref<32x40x125xi32, #tpu.memory_space<hbm>> -> memref<1x40x125xi32, #tpu.memory_space<hbm>>
      %dma_wait3A_37 = tpu.memref_squeeze %dma_wait3A_36 : memref<1x40x125xi32, #tpu.memory_space<hbm>> -> memref<40x125xi32, #tpu.memory_space<hbm>>
      %dma_wait3A_38 = arith.constant 0 : i32
      %dma_wait3A_39 = arith.constant 0 : i32
      %dma_wait3A_40 = tpu.memref_slice %arg3[%add3A, %dma_wait3A_38, %dma_wait3A_39] : memref<32x40x125xi32, #tpu.memory_space<hbm>> -> memref<1x40x125xi32, #tpu.memory_space<hbm>>
      %dma_wait3A_41 = tpu.memref_squeeze %dma_wait3A_40 : memref<1x40x125xi32, #tpu.memory_space<hbm>> -> memref<40x125xi32, #tpu.memory_space<hbm>>
      tpu.wait_dma2 semaphore(%run_scoped3A : memref<!tpu.dma_semaphore, #tpu.memory_space<semaphore_mem>>) src(%dma_wait3A_41 : memref<40x125xi32, #tpu.memory_space<hbm>>) dst(%arg7 : memref<40x125xi32, #tpu.memory_space<vmem>>)
      tpu.yield
    }) : () -> ()
    "tpu.region"() ({
      %run_scoped3A = tpu.sem_alloc : memref<!tpu.dma_semaphore, #tpu.memory_space<semaphore_mem>>
      %dma_start3A_27 = arith.constant 0 : i32
      %dma_start3A_28 = arith.constant 0 : i32
      %dma_start3A_29 = tpu.memref_slice %arg4[%add3A, %dma_start3A_27, %dma_start3A_28] : memref<32x40x125xi32, #tpu.memory_space<hbm>> -> memref<1x40x125xi32, #tpu.memory_space<hbm>>
      %dma_start3A_30 = tpu.memref_squeeze %dma_start3A_29 : memref<1x40x125xi32, #tpu.memory_space<hbm>> -> memref<40x125xi32, #tpu.memory_space<hbm>>
      %dma_start3A_31 = arith.constant 0 : i32
      %dma_start3A_32 = arith.constant 0 : i32
      %dma_start3A_33 = tpu.memref_slice %arg4[%add3A, %dma_start3A_31, %dma_start3A_32] : memref<32x40x125xi32, #tpu.memory_space<hbm>> -> memref<1x40x125xi32, #tpu.memory_space<hbm>>
      %dma_start3A_34 = tpu.memref_squeeze %dma_start3A_33 : memref<1x40x125xi32, #tpu.memory_space<hbm>> -> memref<40x125xi32, #tpu.memory_space<hbm>>
      tpu.enqueue_dma source(%dma_start3A_34 : memref<40x125xi32, #tpu.memory_space<hbm>>) target(%arg8 : memref<40x125xi32, #tpu.memory_space<vmem>>) target_semaphore(%run_scoped3A : memref<!tpu.dma_semaphore, #tpu.memory_space<semaphore_mem>>)
      %dma_wait3A = arith.constant 0 : i32
      %dma_wait3A_35 = arith.constant 0 : i32
      %dma_wait3A_36 = tpu.memref_slice %arg4[%add3A, %dma_wait3A, %dma_wait3A_35] : memref<32x40x125xi32, #tpu.memory_space<hbm>> -> memref<1x40x125xi32, #tpu.memory_space<hbm>>
      %dma_wait3A_37 = tpu.memref_squeeze %dma_wait3A_36 : memref<1x40x125xi32, #tpu.memory_space<hbm>> -> memref<40x125xi32, #tpu.memory_space<hbm>>
      %dma_wait3A_38 = arith.constant 0 : i32
      %dma_wait3A_39 = arith.constant 0 : i32
      %dma_wait3A_40 = tpu.memref_slice %arg4[%add3A, %dma_wait3A_38, %dma_wait3A_39] : memref<32x40x125xi32, #tpu.memory_space<hbm>> -> memref<1x40x125xi32, #tpu.memory_space<hbm>>
      %dma_wait3A_41 = tpu.memref_squeeze %dma_wait3A_40 : memref<1x40x125xi32, #tpu.memory_space<hbm>> -> memref<40x125xi32, #tpu.memory_space<hbm>>
      tpu.wait_dma2 semaphore(%run_scoped3A : memref<!tpu.dma_semaphore, #tpu.memory_space<semaphore_mem>>) src(%dma_wait3A_41 : memref<40x125xi32, #tpu.memory_space<hbm>>) dst(%arg8 : memref<40x125xi32, #tpu.memory_space<vmem>>)
      tpu.yield
    }) : () -> ()
    %eq3A = arith.constant 0 : i32
    %eq3A_1 = arith.cmpi eq, %arg0, %eq3A : i32
    %convert_element_type3A = arith.extui %eq3A_1 : i1 to i32
    %cond3A = arith.constant 0 : i32
    %cond3A_2 = arith.cmpi ne, %convert_element_type3A, %cond3A : i32
    scf.if %cond3A_2 {
      %mul3A_27 = arith.constant 640 : i32
      %mul3A_28 = arith.muli %arg1, %mul3A_27 : i32
      %mul3A_29 = arith.constant 640 : i32
      %mul3A_30 = arith.muli %arg1, %mul3A_29 : i32
      "tpu.region"() ({
        %run_scoped3A = tpu.sem_alloc : memref<!tpu.dma_semaphore, #tpu.memory_space<semaphore_mem>>
        %dma_start3A_31 = arith.constant 0 : i32
        %dma_start3A_32 = tpu.memref_slice %arg11[%mul3A_30, %dma_start3A_31] : memref<10240x128xf32, #tpu.memory_space<vmem_shared>> -> memref<640x128xf32, #tpu.memory_space<vmem_shared>>
        %dma_start3A_33 = arith.constant 0 : i32
        %dma_start3A_34 = tpu.memref_slice %arg2[%mul3A_28, %dma_start3A_33] : memref<10240x128xf32, #tpu.memory_space<hbm>> -> memref<640x128xf32, #tpu.memory_space<hbm>>
        tpu.enqueue_dma source(%dma_start3A_34 : memref<640x128xf32, #tpu.memory_space<hbm>>) target(%dma_start3A_32 : memref<640x128xf32, #tpu.memory_space<vmem_shared>>) target_semaphore(%run_scoped3A : memref<!tpu.dma_semaphore, #tpu.memory_space<semaphore_mem>>)
        %dma_wait3A = arith.constant 0 : i32
        %dma_wait3A_35 = tpu.memref_slice %arg11[%mul3A_30, %dma_wait3A] : memref<10240x128xf32, #tpu.memory_space<vmem_shared>> -> memref<640x128xf32, #tpu.memory_space<vmem_shared>>
        %dma_wait3A_36 = arith.constant 0 : i32
        %dma_wait3A_37 = tpu.memref_slice %arg2[%mul3A_28, %dma_wait3A_36] : memref<10240x128xf32, #tpu.memory_space<hbm>> -> memref<640x128xf32, #tpu.memory_space<hbm>>
        tpu.wait_dma2 semaphore(%run_scoped3A : memref<!tpu.dma_semaphore, #tpu.memory_space<semaphore_mem>>) src(%dma_wait3A_37 : memref<640x128xf32, #tpu.memory_space<hbm>>) dst(%dma_wait3A_35 : memref<640x128xf32, #tpu.memory_space<vmem_shared>>)
        tpu.yield
      }) : () -> ()
    } else {
    }
    %eq3A_3 = arith.constant 1 : i32
    %eq3A_4 = arith.cmpi eq, %arg0, %eq3A_3 : i32
    %convert_element_type3A_5 = arith.extui %eq3A_4 : i1 to i32
    %cond3A_6 = arith.constant 0 : i32
    %cond3A_7 = arith.cmpi ne, %convert_element_type3A_5, %cond3A_6 : i32
    scf.if %cond3A_7 {
      %mul3A_27 = arith.constant 640 : i32
      %mul3A_28 = arith.muli %arg1, %mul3A_27 : i32
      "tpu.region"() ({
        %run_scoped3A = tpu.sem_alloc : memref<!tpu.dma_semaphore, #tpu.memory_space<semaphore_mem>>
        %dma_start3A_29 = arith.constant 0 : i32
        %dma_start3A_30 = tpu.memref_slice %arg11[%mul3A_28, %dma_start3A_29] : memref<10240x128xf32, #tpu.memory_space<vmem_shared>> -> memref<640x128xf32, #tpu.memory_space<vmem_shared>>
        tpu.enqueue_dma source(%arg5 : memref<640x128xf32, #tpu.memory_space<hbm>>) target(%dma_start3A_30 : memref<640x128xf32, #tpu.memory_space<vmem_shared>>) target_semaphore(%run_scoped3A : memref<!tpu.dma_semaphore, #tpu.memory_space<semaphore_mem>>)
        %dma_wait3A = arith.constant 0 : i32
        %dma_wait3A_31 = tpu.memref_slice %arg11[%mul3A_28, %dma_wait3A] : memref<10240x128xf32, #tpu.memory_space<vmem_shared>> -> memref<640x128xf32, #tpu.memory_space<vmem_shared>>
        tpu.wait_dma2 semaphore(%run_scoped3A : memref<!tpu.dma_semaphore, #tpu.memory_space<semaphore_mem>>) src(%arg5 : memref<640x128xf32, #tpu.memory_space<hbm>>) dst(%dma_wait3A_31 : memref<640x128xf32, #tpu.memory_space<vmem_shared>>)
        tpu.yield
      }) : () -> ()
    } else {
    }
    %barrier3A = arith.constant 0 : index
    tpu.barrier barrier_id(%barrier3A)
    %dma_start3A = arith.constant 0 : i32
    %dma_start3A_8 = arith.constant 0 : i32
    %dma_start3A_9 = tpu.memref_slice %arg7[%dma_start3A, %dma_start3A_8] : memref<40x125xi32, #tpu.memory_space<vmem>> -> memref<1x125xi32, #tpu.memory_space<vmem>>
    %dma_start3A_10 = tpu.memref_squeeze %dma_start3A_9 : memref<1x125xi32, #tpu.memory_space<vmem>> -> memref<125xi32, #tpu.memory_space<vmem>>
    %dma_start3A_11 = arith.constant 0 : i32
    %dma_start3A_12 = arith.constant 0 : i32
    %dma_start3A_13 = tpu.memref_slice %arg2[%dma_start3A_11, %dma_start3A_12] : memref<10240x128xf32, #tpu.memory_space<hbm>> -> memref<10240x128xf32, #tpu.memory_space<hbm>>
    tpu.enqueue_indirect_dma source(%dma_start3A_13 : memref<10240x128xf32, #tpu.memory_space<hbm>>) target(%arg9 : memref<125x128xf32, #tpu.memory_space<vmem>>) offsets(%dma_start3A_10 : memref<125xi32, #tpu.memory_space<vmem>>) semaphore(%arg12 : memref<!tpu.dma_semaphore, #tpu.memory_space<semaphore_mem>>)
    %scan3A = arith.constant 0 : i32
    %scan3A_14 = arith.constant 0 : i32
    %scan3A_15 = arith.constant 20 : i32
    %scan3A_16 = arith.addi %scan3A_14, %scan3A_15 : i32
    %scan3A_17 = arith.constant 1 : i32
    scf.for %scan3A_27 = %scan3A_14 to %scan3A_16 step %scan3A_17  : i32 {
      %mul3A_28 = arith.constant 2 : i32
      %mul3A_29 = arith.muli %mul3A_28, %scan3A_27 : i32
      %dma_wait3A = arith.constant 0 : i32
      %dma_wait3A_30 = tpu.memref_slice %arg7[%mul3A_29, %dma_wait3A] : memref<40x125xi32, #tpu.memory_space<vmem>> -> memref<1x125xi32, #tpu.memory_space<vmem>>
      %dma_wait3A_31 = tpu.memref_squeeze %dma_wait3A_30 : memref<1x125xi32, #tpu.memory_space<vmem>> -> memref<125xi32, #tpu.memory_space<vmem>>
      %dma_wait3A_32 = arith.constant 0 : i32
      %dma_wait3A_33 = arith.constant 0 : i32
      %dma_wait3A_34 = tpu.memref_slice %arg2[%dma_wait3A_32, %dma_wait3A_33] : memref<10240x128xf32, #tpu.memory_space<hbm>> -> memref<10240x128xf32, #tpu.memory_space<hbm>>
      tpu.wait_indirect_dma semaphore(%arg12 : memref<!tpu.dma_semaphore, #tpu.memory_space<semaphore_mem>>) src(%dma_wait3A_34 : memref<10240x128xf32, #tpu.memory_space<hbm>>) dst(%arg9 : memref<125x128xf32, #tpu.memory_space<vmem>>)
      %add3A_35 = arith.constant 1 : i32
      %add3A_36 = arith.addi %mul3A_29, %add3A_35 : i32
      %dma_start3A_37 = arith.constant 0 : i32
      %dma_start3A_38 = tpu.memref_slice %arg7[%add3A_36, %dma_start3A_37] : memref<40x125xi32, #tpu.memory_space<vmem>> -> memref<1x125xi32, #tpu.memory_space<vmem>>
      %dma_start3A_39 = tpu.memref_squeeze %dma_start3A_38 : memref<1x125xi32, #tpu.memory_space<vmem>> -> memref<125xi32, #tpu.memory_space<vmem>>
      %dma_start3A_40 = arith.constant 0 : i32
      %dma_start3A_41 = arith.constant 0 : i32
      %dma_start3A_42 = tpu.memref_slice %arg2[%dma_start3A_40, %dma_start3A_41] : memref<10240x128xf32, #tpu.memory_space<hbm>> -> memref<10240x128xf32, #tpu.memory_space<hbm>>
      tpu.enqueue_indirect_dma source(%dma_start3A_42 : memref<10240x128xf32, #tpu.memory_space<hbm>>) target(%arg10 : memref<125x128xf32, #tpu.memory_space<vmem>>) offsets(%dma_start3A_39 : memref<125xi32, #tpu.memory_space<vmem>>) semaphore(%arg13 : memref<!tpu.dma_semaphore, #tpu.memory_space<semaphore_mem>>)
      "tpu.region"() ({
        %run_scoped3A = tpu.sem_alloc : memref<!tpu.dma_semaphore, #tpu.memory_space<semaphore_mem>>
        %dma_start3A_57 = arith.constant 0 : i32
        %dma_start3A_58 = tpu.memref_slice %arg8[%mul3A_29, %dma_start3A_57] : memref<40x125xi32, #tpu.memory_space<vmem>> -> memref<1x125xi32, #tpu.memory_space<vmem>>
        %dma_start3A_59 = tpu.memref_squeeze %dma_start3A_58 : memref<1x125xi32, #tpu.memory_space<vmem>> -> memref<125xi32, #tpu.memory_space<vmem>>
        %dma_start3A_60 = arith.constant 0 : i32
        %dma_start3A_61 = arith.constant 0 : i32
        %dma_start3A_62 = tpu.memref_slice %arg11[%dma_start3A_60, %dma_start3A_61] : memref<10240x128xf32, #tpu.memory_space<vmem_shared>> -> memref<10240x128xf32, #tpu.memory_space<vmem_shared>>
        tpu.enqueue_indirect_dma source(%arg9 : memref<125x128xf32, #tpu.memory_space<vmem>>) target(%dma_start3A_62 : memref<10240x128xf32, #tpu.memory_space<vmem_shared>>) offsets(%dma_start3A_59 : memref<125xi32, #tpu.memory_space<vmem>>) semaphore(%run_scoped3A : memref<!tpu.dma_semaphore, #tpu.memory_space<semaphore_mem>>) {add = true}
        %dma_wait3A_63 = arith.constant 0 : i32
        %dma_wait3A_64 = tpu.memref_slice %arg8[%mul3A_29, %dma_wait3A_63] : memref<40x125xi32, #tpu.memory_space<vmem>> -> memref<1x125xi32, #tpu.memory_space<vmem>>
        %dma_wait3A_65 = tpu.memref_squeeze %dma_wait3A_64 : memref<1x125xi32, #tpu.memory_space<vmem>> -> memref<125xi32, #tpu.memory_space<vmem>>
        %dma_wait3A_66 = arith.constant 0 : i32
        %dma_wait3A_67 = arith.constant 0 : i32
        %dma_wait3A_68 = tpu.memref_slice %arg11[%dma_wait3A_66, %dma_wait3A_67] : memref<10240x128xf32, #tpu.memory_space<vmem_shared>> -> memref<10240x128xf32, #tpu.memory_space<vmem_shared>>
        tpu.wait_indirect_dma semaphore(%run_scoped3A : memref<!tpu.dma_semaphore, #tpu.memory_space<semaphore_mem>>) src(%arg9 : memref<125x128xf32, #tpu.memory_space<vmem>>) dst(%dma_wait3A_68 : memref<10240x128xf32, #tpu.memory_space<vmem_shared>>)
        tpu.yield
      }) : () -> ()
      %add3A_43 = arith.constant 1 : i32
      %add3A_44 = arith.addi %mul3A_29, %add3A_43 : i32
      %dma_wait3A_45 = arith.constant 0 : i32
      %dma_wait3A_46 = tpu.memref_slice %arg7[%add3A_44, %dma_wait3A_45] : memref<40x125xi32, #tpu.memory_space<vmem>> -> memref<1x125xi32, #tpu.memory_space<vmem>>
      %dma_wait3A_47 = tpu.memref_squeeze %dma_wait3A_46 : memref<1x125xi32, #tpu.memory_space<vmem>> -> memref<125xi32, #tpu.memory_space<vmem>>
      %dma_wait3A_48 = arith.constant 0 : i32
      %dma_wait3A_49 = arith.constant 0 : i32
      %dma_wait3A_50 = tpu.memref_slice %arg2[%dma_wait3A_48, %dma_wait3A_49] : memref<10240x128xf32, #tpu.memory_space<hbm>> -> memref<10240x128xf32, #tpu.memory_space<hbm>>
      tpu.wait_indirect_dma semaphore(%arg13 : memref<!tpu.dma_semaphore, #tpu.memory_space<semaphore_mem>>) src(%dma_wait3A_50 : memref<10240x128xf32, #tpu.memory_space<hbm>>) dst(%arg10 : memref<125x128xf32, #tpu.memory_space<vmem>>)
      %lt3A = arith.constant 19 : i32
      %lt3A_51 = arith.cmpi slt, %scan3A_27, %lt3A : i32
      %convert_element_type3A_52 = arith.extui %lt3A_51 : i1 to i32
      %cond3A_53 = arith.constant 0 : i32
      %cond3A_54 = arith.cmpi ne, %convert_element_type3A_52, %cond3A_53 : i32
      scf.if %cond3A_54 {
        %add3A_57 = arith.constant 2 : i32
        %add3A_58 = arith.addi %mul3A_29, %add3A_57 : i32
        %dma_start3A_59 = arith.constant 0 : i32
        %dma_start3A_60 = tpu.memref_slice %arg7[%add3A_58, %dma_start3A_59] : memref<40x125xi32, #tpu.memory_space<vmem>> -> memref<1x125xi32, #tpu.memory_space<vmem>>
        %dma_start3A_61 = tpu.memref_squeeze %dma_start3A_60 : memref<1x125xi32, #tpu.memory_space<vmem>> -> memref<125xi32, #tpu.memory_space<vmem>>
        %dma_start3A_62 = arith.constant 0 : i32
        %dma_start3A_63 = arith.constant 0 : i32
        %dma_start3A_64 = tpu.memref_slice %arg2[%dma_start3A_62, %dma_start3A_63] : memref<10240x128xf32, #tpu.memory_space<hbm>> -> memref<10240x128xf32, #tpu.memory_space<hbm>>
        tpu.enqueue_indirect_dma source(%dma_start3A_64 : memref<10240x128xf32, #tpu.memory_space<hbm>>) target(%arg9 : memref<125x128xf32, #tpu.memory_space<vmem>>) offsets(%dma_start3A_61 : memref<125xi32, #tpu.memory_space<vmem>>) semaphore(%arg12 : memref<!tpu.dma_semaphore, #tpu.memory_space<semaphore_mem>>)
      } else {
      }
      %add3A_55 = arith.constant 1 : i32
      %add3A_56 = arith.addi %mul3A_29, %add3A_55 : i32
      "tpu.region"() ({
        %run_scoped3A = tpu.sem_alloc : memref<!tpu.dma_semaphore, #tpu.memory_space<semaphore_mem>>
        %dma_start3A_57 = arith.constant 0 : i32
        %dma_start3A_58 = tpu.memref_slice %arg8[%add3A_56, %dma_start3A_57] : memref<40x125xi32, #tpu.memory_space<vmem>> -> memref<1x125xi32, #tpu.memory_space<vmem>>
        %dma_start3A_59 = tpu.memref_squeeze %dma_start3A_58 : memref<1x125xi32, #tpu.memory_space<vmem>> -> memref<125xi32, #tpu.memory_space<vmem>>
        %dma_start3A_60 = arith.constant 0 : i32
        %dma_start3A_61 = arith.constant 0 : i32
        %dma_start3A_62 = tpu.memref_slice %arg11[%dma_start3A_60, %dma_start3A_61] : memref<10240x128xf32, #tpu.memory_space<vmem_shared>> -> memref<10240x128xf32, #tpu.memory_space<vmem_shared>>
        tpu.enqueue_indirect_dma source(%arg10 : memref<125x128xf32, #tpu.memory_space<vmem>>) target(%dma_start3A_62 : memref<10240x128xf32, #tpu.memory_space<vmem_shared>>) offsets(%dma_start3A_59 : memref<125xi32, #tpu.memory_space<vmem>>) semaphore(%run_scoped3A : memref<!tpu.dma_semaphore, #tpu.memory_space<semaphore_mem>>) {add = true}
        %dma_wait3A_63 = arith.constant 0 : i32
        %dma_wait3A_64 = tpu.memref_slice %arg8[%add3A_56, %dma_wait3A_63] : memref<40x125xi32, #tpu.memory_space<vmem>> -> memref<1x125xi32, #tpu.memory_space<vmem>>
        %dma_wait3A_65 = tpu.memref_squeeze %dma_wait3A_64 : memref<1x125xi32, #tpu.memory_space<vmem>> -> memref<125xi32, #tpu.memory_space<vmem>>
        %dma_wait3A_66 = arith.constant 0 : i32
        %dma_wait3A_67 = arith.constant 0 : i32
        %dma_wait3A_68 = tpu.memref_slice %arg11[%dma_wait3A_66, %dma_wait3A_67] : memref<10240x128xf32, #tpu.memory_space<vmem_shared>> -> memref<10240x128xf32, #tpu.memory_space<vmem_shared>>
        tpu.wait_indirect_dma semaphore(%run_scoped3A : memref<!tpu.dma_semaphore, #tpu.memory_space<semaphore_mem>>) src(%arg10 : memref<125x128xf32, #tpu.memory_space<vmem>>) dst(%dma_wait3A_68 : memref<10240x128xf32, #tpu.memory_space<vmem_shared>>)
        tpu.yield
      }) : () -> ()
    }
    %scan3A_18 = arith.constant 20 : i32
    %barrier3A_19 = arith.constant 0 : index
    tpu.barrier barrier_id(%barrier3A_19)
    %mul3A_20 = arith.constant 10240 : i32
    %mul3A_21 = arith.muli %arg0, %mul3A_20 : i32
    %mul3A_22 = arith.constant 640 : i32
    %mul3A_23 = arith.muli %arg1, %mul3A_22 : i32
    %add3A_24 = arith.addi %mul3A_21, %mul3A_23 : i32
    %mul3A_25 = arith.constant 640 : i32
    %mul3A_26 = arith.muli %arg1, %mul3A_25 : i32
    "tpu.region"() ({
      %run_scoped3A = tpu.sem_alloc : memref<!tpu.dma_semaphore, #tpu.memory_space<semaphore_mem>>
      %dma_start3A_27 = arith.constant 0 : i32
      %dma_start3A_28 = tpu.memref_slice %arg6[%add3A_24, %dma_start3A_27] : memref<20480x128xf32, #tpu.memory_space<hbm>> -> memref<640x128xf32, #tpu.memory_space<hbm>>
      %dma_start3A_29 = arith.constant 0 : i32
      %dma_start3A_30 = tpu.memref_slice %arg11[%mul3A_26, %dma_start3A_29] : memref<10240x128xf32, #tpu.memory_space<vmem_shared>> -> memref<640x128xf32, #tpu.memory_space<vmem_shared>>
      tpu.enqueue_dma source(%dma_start3A_30 : memref<640x128xf32, #tpu.memory_space<vmem_shared>>) target(%dma_start3A_28 : memref<640x128xf32, #tpu.memory_space<hbm>>) target_semaphore(%run_scoped3A : memref<!tpu.dma_semaphore, #tpu.memory_space<semaphore_mem>>)
      %dma_wait3A = arith.constant 0 : i32
      %dma_wait3A_31 = tpu.memref_slice %arg6[%add3A_24, %dma_wait3A] : memref<20480x128xf32, #tpu.memory_space<hbm>> -> memref<640x128xf32, #tpu.memory_space<hbm>>
      %dma_wait3A_32 = arith.constant 0 : i32
      %dma_wait3A_33 = tpu.memref_slice %arg11[%mul3A_26, %dma_wait3A_32] : memref<10240x128xf32, #tpu.memory_space<vmem_shared>> -> memref<640x128xf32, #tpu.memory_space<vmem_shared>>
      tpu.wait_dma2 semaphore(%run_scoped3A : memref<!tpu.dma_semaphore, #tpu.memory_space<semaphore_mem>>) src(%dma_wait3A_33 : memref<640x128xf32, #tpu.memory_space<vmem_shared>>) dst(%dma_wait3A_31 : memref<640x128xf32, #tpu.memory_space<hbm>>)
      tpu.yield
    }) : () -> ()
    return
  }
}

#map = affine_map<(d0, d1) -> (0, 0)>
#map1 = affine_map<(d0, d1) -> (0, 0, 0)>
module attributes {stable_mosaic.version = 14 : i64} {
  func.func @_agg_body(%arg0: i32, %arg1: i32, %arg2: memref<10240x128xf32, #tpu.memory_space<hbm>>, %arg3: memref<32x40x125xi32, #tpu.memory_space<hbm>>, %arg4: memref<32x40x125xi32, #tpu.memory_space<hbm>>, %arg5: memref<640x128xf32, #tpu.memory_space<hbm>>, %arg6: memref<20480x128xf32, #tpu.memory_space<hbm>>, %arg7: memref<40x125xi32, #tpu.memory_space<vmem>>, %arg8: memref<40x125xi32, #tpu.memory_space<vmem>>, %arg9: memref<125x128xf32, #tpu.memory_space<vmem>>, %arg10: memref<125x128xf32, #tpu.memory_space<vmem>>, %arg11: memref<10240x128xf32, #tpu.memory_space<vmem_shared>>, %arg12: memref<!tpu.dma_semaphore, #tpu.memory_space<semaphore_mem>>, %arg13: memref<!tpu.dma_semaphore, #tpu.memory_space<semaphore_mem>>) attributes {dimension_semantics = [#tpu.dimension_semantics<core_parallel>, #tpu.dimension_semantics<subcore_parallel>], iteration_bounds = array<i64: 2, 16>, scalar_prefetch = 0 : i64, scratch_operands = 7 : i64, tpu.core_type = #tpu.core_type<sc_vector_subcore>, window_params = [{transform_indices = #map}, {transform_indices = #map1}, {transform_indices = #map1}, {transform_indices = #map}, {transform_indices = #map}]} {
    %mul3A = arith.constant 16 : i32
    %mul3A_0 = arith.muli %arg0, %mul3A : i32
    %add3A = arith.addi %mul3A_0, %arg1 : i32
    "tpu.region"() ({
      %run_scoped3A = tpu.sem_alloc : memref<!tpu.dma_semaphore, #tpu.memory_space<semaphore_mem>>
      %dma_start3A_27 = arith.constant 0 : i32
      %dma_start3A_28 = arith.constant 0 : i32
      %dma_start3A_29 = tpu.memref_slice %arg3[%add3A, %dma_start3A_27, %dma_start3A_28] : memref<32x40x125xi32, #tpu.memory_space<hbm>> -> memref<1x40x125xi32, #tpu.memory_space<hbm>>
      %dma_start3A_30 = tpu.memref_squeeze %dma_start3A_29 : memref<1x40x125xi32, #tpu.memory_space<hbm>> -> memref<40x125xi32, #tpu.memory_space<hbm>>
      %dma_start3A_31 = arith.constant 0 : i32
      %dma_start3A_32 = arith.constant 0 : i32
      %dma_start3A_33 = tpu.memref_slice %arg3[%add3A, %dma_start3A_31, %dma_start3A_32] : memref<32x40x125xi32, #tpu.memory_space<hbm>> -> memref<1x40x125xi32, #tpu.memory_space<hbm>>
      %dma_start3A_34 = tpu.memref_squeeze %dma_start3A_33 : memref<1x40x125xi32, #tpu.memory_space<hbm>> -> memref<40x125xi32, #tpu.memory_space<hbm>>
      tpu.enqueue_dma source(%dma_start3A_34 : memref<40x125xi32, #tpu.memory_space<hbm>>) target(%arg7 : memref<40x125xi32, #tpu.memory_space<vmem>>) target_semaphore(%run_scoped3A : memref<!tpu.dma_semaphore, #tpu.memory_space<semaphore_mem>>)
      %dma_wait3A = arith.constant 0 : i32
      %dma_wait3A_35 = arith.constant 0 : i32
      %dma_wait3A_36 = tpu.memref_slice %arg3[%add3A, %dma_wait3A, %dma_wait3A_35] : memref<32x40x125xi32, #tpu.memory_space<hbm>> -> memref<1x40x125xi32, #tpu.memory_space<hbm>>
      %dma_wait3A_37 = tpu.memref_squeeze %dma_wait3A_36 : memref<1x40x125xi32, #tpu.memory_space<hbm>> -> memref<40x125xi32, #tpu.memory_space<hbm>>
      %dma_wait3A_38 = arith.constant 0 : i32
      %dma_wait3A_39 = arith.constant 0 : i32
      %dma_wait3A_40 = tpu.memref_slice %arg3[%add3A, %dma_wait3A_38, %dma_wait3A_39] : memref<32x40x125xi32, #tpu.memory_space<hbm>> -> memref<1x40x125xi32, #tpu.memory_space<hbm>>
      %dma_wait3A_41 = tpu.memref_squeeze %dma_wait3A_40 : memref<1x40x125xi32, #tpu.memory_space<hbm>> -> memref<40x125xi32, #tpu.memory_space<hbm>>
      tpu.wait_dma2 semaphore(%run_scoped3A : memref<!tpu.dma_semaphore, #tpu.memory_space<semaphore_mem>>) src(%dma_wait3A_41 : memref<40x125xi32, #tpu.memory_space<hbm>>) dst(%arg7 : memref<40x125xi32, #tpu.memory_space<vmem>>)
      tpu.yield
    }) : () -> ()
    "tpu.region"() ({
      %run_scoped3A = tpu.sem_alloc : memref<!tpu.dma_semaphore, #tpu.memory_space<semaphore_mem>>
      %dma_start3A_27 = arith.constant 0 : i32
      %dma_start3A_28 = arith.constant 0 : i32
      %dma_start3A_29 = tpu.memref_slice %arg4[%add3A, %dma_start3A_27, %dma_start3A_28] : memref<32x40x125xi32, #tpu.memory_space<hbm>> -> memref<1x40x125xi32, #tpu.memory_space<hbm>>
      %dma_start3A_30 = tpu.memref_squeeze %dma_start3A_29 : memref<1x40x125xi32, #tpu.memory_space<hbm>> -> memref<40x125xi32, #tpu.memory_space<hbm>>
      %dma_start3A_31 = arith.constant 0 : i32
      %dma_start3A_32 = arith.constant 0 : i32
      %dma_start3A_33 = tpu.memref_slice %arg4[%add3A, %dma_start3A_31, %dma_start3A_32] : memref<32x40x125xi32, #tpu.memory_space<hbm>> -> memref<1x40x125xi32, #tpu.memory_space<hbm>>
      %dma_start3A_34 = tpu.memref_squeeze %dma_start3A_33 : memref<1x40x125xi32, #tpu.memory_space<hbm>> -> memref<40x125xi32, #tpu.memory_space<hbm>>
      tpu.enqueue_dma source(%dma_start3A_34 : memref<40x125xi32, #tpu.memory_space<hbm>>) target(%arg8 : memref<40x125xi32, #tpu.memory_space<vmem>>) target_semaphore(%run_scoped3A : memref<!tpu.dma_semaphore, #tpu.memory_space<semaphore_mem>>)
      %dma_wait3A = arith.constant 0 : i32
      %dma_wait3A_35 = arith.constant 0 : i32
      %dma_wait3A_36 = tpu.memref_slice %arg4[%add3A, %dma_wait3A, %dma_wait3A_35] : memref<32x40x125xi32, #tpu.memory_space<hbm>> -> memref<1x40x125xi32, #tpu.memory_space<hbm>>
      %dma_wait3A_37 = tpu.memref_squeeze %dma_wait3A_36 : memref<1x40x125xi32, #tpu.memory_space<hbm>> -> memref<40x125xi32, #tpu.memory_space<hbm>>
      %dma_wait3A_38 = arith.constant 0 : i32
      %dma_wait3A_39 = arith.constant 0 : i32
      %dma_wait3A_40 = tpu.memref_slice %arg4[%add3A, %dma_wait3A_38, %dma_wait3A_39] : memref<32x40x125xi32, #tpu.memory_space<hbm>> -> memref<1x40x125xi32, #tpu.memory_space<hbm>>
      %dma_wait3A_41 = tpu.memref_squeeze %dma_wait3A_40 : memref<1x40x125xi32, #tpu.memory_space<hbm>> -> memref<40x125xi32, #tpu.memory_space<hbm>>
      tpu.wait_dma2 semaphore(%run_scoped3A : memref<!tpu.dma_semaphore, #tpu.memory_space<semaphore_mem>>) src(%dma_wait3A_41 : memref<40x125xi32, #tpu.memory_space<hbm>>) dst(%arg8 : memref<40x125xi32, #tpu.memory_space<vmem>>)
      tpu.yield
    }) : () -> ()
    %eq3A = arith.constant 0 : i32
    %eq3A_1 = arith.cmpi eq, %arg0, %eq3A : i32
    %convert_element_type3A = arith.extui %eq3A_1 : i1 to i32
    %cond3A = arith.constant 0 : i32
    %cond3A_2 = arith.cmpi ne, %convert_element_type3A, %cond3A : i32
    scf.if %cond3A_2 {
      %mul3A_27 = arith.constant 640 : i32
      %mul3A_28 = arith.muli %arg1, %mul3A_27 : i32
      %mul3A_29 = arith.constant 640 : i32
      %mul3A_30 = arith.muli %arg1, %mul3A_29 : i32
      "tpu.region"() ({
        %run_scoped3A = tpu.sem_alloc : memref<!tpu.dma_semaphore, #tpu.memory_space<semaphore_mem>>
        %dma_start3A_31 = arith.constant 0 : i32
        %dma_start3A_32 = tpu.memref_slice %arg11[%mul3A_30, %dma_start3A_31] : memref<10240x128xf32, #tpu.memory_space<vmem_shared>> -> memref<640x128xf32, #tpu.memory_space<vmem_shared>>
        %dma_start3A_33 = arith.constant 0 : i32
        %dma_start3A_34 = tpu.memref_slice %arg2[%mul3A_28, %dma_start3A_33] : memref<10240x128xf32, #tpu.memory_space<hbm>> -> memref<640x128xf32, #tpu.memory_space<hbm>>
        tpu.enqueue_dma source(%dma_start3A_34 : memref<640x128xf32, #tpu.memory_space<hbm>>) target(%dma_start3A_32 : memref<640x128xf32, #tpu.memory_space<vmem_shared>>) target_semaphore(%run_scoped3A : memref<!tpu.dma_semaphore, #tpu.memory_space<semaphore_mem>>)
        %dma_wait3A = arith.constant 0 : i32
        %dma_wait3A_35 = tpu.memref_slice %arg11[%mul3A_30, %dma_wait3A] : memref<10240x128xf32, #tpu.memory_space<vmem_shared>> -> memref<640x128xf32, #tpu.memory_space<vmem_shared>>
        %dma_wait3A_36 = arith.constant 0 : i32
        %dma_wait3A_37 = tpu.memref_slice %arg2[%mul3A_28, %dma_wait3A_36] : memref<10240x128xf32, #tpu.memory_space<hbm>> -> memref<640x128xf32, #tpu.memory_space<hbm>>
        tpu.wait_dma2 semaphore(%run_scoped3A : memref<!tpu.dma_semaphore, #tpu.memory_space<semaphore_mem>>) src(%dma_wait3A_37 : memref<640x128xf32, #tpu.memory_space<hbm>>) dst(%dma_wait3A_35 : memref<640x128xf32, #tpu.memory_space<vmem_shared>>)
        tpu.yield
      }) : () -> ()
    } else {
    }
    %eq3A_3 = arith.constant 1 : i32
    %eq3A_4 = arith.cmpi eq, %arg0, %eq3A_3 : i32
    %convert_element_type3A_5 = arith.extui %eq3A_4 : i1 to i32
    %cond3A_6 = arith.constant 0 : i32
    %cond3A_7 = arith.cmpi ne, %convert_element_type3A_5, %cond3A_6 : i32
    scf.if %cond3A_7 {
      %mul3A_27 = arith.constant 640 : i32
      %mul3A_28 = arith.muli %arg1, %mul3A_27 : i32
      "tpu.region"() ({
        %run_scoped3A = tpu.sem_alloc : memref<!tpu.dma_semaphore, #tpu.memory_space<semaphore_mem>>
        %dma_start3A_29 = arith.constant 0 : i32
        %dma_start3A_30 = tpu.memref_slice %arg11[%mul3A_28, %dma_start3A_29] : memref<10240x128xf32, #tpu.memory_space<vmem_shared>> -> memref<640x128xf32, #tpu.memory_space<vmem_shared>>
        tpu.enqueue_dma source(%arg5 : memref<640x128xf32, #tpu.memory_space<hbm>>) target(%dma_start3A_30 : memref<640x128xf32, #tpu.memory_space<vmem_shared>>) target_semaphore(%run_scoped3A : memref<!tpu.dma_semaphore, #tpu.memory_space<semaphore_mem>>)
        %dma_wait3A = arith.constant 0 : i32
        %dma_wait3A_31 = tpu.memref_slice %arg11[%mul3A_28, %dma_wait3A] : memref<10240x128xf32, #tpu.memory_space<vmem_shared>> -> memref<640x128xf32, #tpu.memory_space<vmem_shared>>
        tpu.wait_dma2 semaphore(%run_scoped3A : memref<!tpu.dma_semaphore, #tpu.memory_space<semaphore_mem>>) src(%arg5 : memref<640x128xf32, #tpu.memory_space<hbm>>) dst(%dma_wait3A_31 : memref<640x128xf32, #tpu.memory_space<vmem_shared>>)
        tpu.yield
      }) : () -> ()
    } else {
    }
    %barrier3A = arith.constant 0 : index
    tpu.barrier barrier_id(%barrier3A)
    %dma_start3A = arith.constant 0 : i32
    %dma_start3A_8 = arith.constant 0 : i32
    %dma_start3A_9 = tpu.memref_slice %arg7[%dma_start3A, %dma_start3A_8] : memref<40x125xi32, #tpu.memory_space<vmem>> -> memref<1x125xi32, #tpu.memory_space<vmem>>
    %dma_start3A_10 = tpu.memref_squeeze %dma_start3A_9 : memref<1x125xi32, #tpu.memory_space<vmem>> -> memref<125xi32, #tpu.memory_space<vmem>>
    %dma_start3A_11 = arith.constant 0 : i32
    %dma_start3A_12 = arith.constant 0 : i32
    %dma_start3A_13 = tpu.memref_slice %arg2[%dma_start3A_11, %dma_start3A_12] : memref<10240x128xf32, #tpu.memory_space<hbm>> -> memref<10240x128xf32, #tpu.memory_space<hbm>>
    tpu.enqueue_indirect_dma source(%dma_start3A_13 : memref<10240x128xf32, #tpu.memory_space<hbm>>) target(%arg9 : memref<125x128xf32, #tpu.memory_space<vmem>>) offsets(%dma_start3A_10 : memref<125xi32, #tpu.memory_space<vmem>>) semaphore(%arg12 : memref<!tpu.dma_semaphore, #tpu.memory_space<semaphore_mem>>)
    %scan3A = arith.constant 0 : i32
    %scan3A_14 = arith.constant 0 : i32
    %scan3A_15 = arith.constant 20 : i32
    %scan3A_16 = arith.addi %scan3A_14, %scan3A_15 : i32
    %scan3A_17 = arith.constant 1 : i32
    scf.for %scan3A_27 = %scan3A_14 to %scan3A_16 step %scan3A_17  : i32 {
      %mul3A_28 = arith.constant 2 : i32
      %mul3A_29 = arith.muli %mul3A_28, %scan3A_27 : i32
      %dma_wait3A = arith.constant 0 : i32
      %dma_wait3A_30 = tpu.memref_slice %arg7[%mul3A_29, %dma_wait3A] : memref<40x125xi32, #tpu.memory_space<vmem>> -> memref<1x125xi32, #tpu.memory_space<vmem>>
      %dma_wait3A_31 = tpu.memref_squeeze %dma_wait3A_30 : memref<1x125xi32, #tpu.memory_space<vmem>> -> memref<125xi32, #tpu.memory_space<vmem>>
      %dma_wait3A_32 = arith.constant 0 : i32
      %dma_wait3A_33 = arith.constant 0 : i32
      %dma_wait3A_34 = tpu.memref_slice %arg2[%dma_wait3A_32, %dma_wait3A_33] : memref<10240x128xf32, #tpu.memory_space<hbm>> -> memref<10240x128xf32, #tpu.memory_space<hbm>>
      tpu.wait_indirect_dma semaphore(%arg12 : memref<!tpu.dma_semaphore, #tpu.memory_space<semaphore_mem>>) src(%dma_wait3A_34 : memref<10240x128xf32, #tpu.memory_space<hbm>>) dst(%arg9 : memref<125x128xf32, #tpu.memory_space<vmem>>)
      %add3A_35 = arith.constant 1 : i32
      %add3A_36 = arith.addi %mul3A_29, %add3A_35 : i32
      %dma_start3A_37 = arith.constant 0 : i32
      %dma_start3A_38 = tpu.memref_slice %arg7[%add3A_36, %dma_start3A_37] : memref<40x125xi32, #tpu.memory_space<vmem>> -> memref<1x125xi32, #tpu.memory_space<vmem>>
      %dma_start3A_39 = tpu.memref_squeeze %dma_start3A_38 : memref<1x125xi32, #tpu.memory_space<vmem>> -> memref<125xi32, #tpu.memory_space<vmem>>
      %dma_start3A_40 = arith.constant 0 : i32
      %dma_start3A_41 = arith.constant 0 : i32
      %dma_start3A_42 = tpu.memref_slice %arg2[%dma_start3A_40, %dma_start3A_41] : memref<10240x128xf32, #tpu.memory_space<hbm>> -> memref<10240x128xf32, #tpu.memory_space<hbm>>
      tpu.enqueue_indirect_dma source(%dma_start3A_42 : memref<10240x128xf32, #tpu.memory_space<hbm>>) target(%arg10 : memref<125x128xf32, #tpu.memory_space<vmem>>) offsets(%dma_start3A_39 : memref<125xi32, #tpu.memory_space<vmem>>) semaphore(%arg13 : memref<!tpu.dma_semaphore, #tpu.memory_space<semaphore_mem>>)
      "tpu.region"() ({
        %run_scoped3A = tpu.sem_alloc : memref<!tpu.dma_semaphore, #tpu.memory_space<semaphore_mem>>
        %dma_start3A_57 = arith.constant 0 : i32
        %dma_start3A_58 = tpu.memref_slice %arg8[%mul3A_29, %dma_start3A_57] : memref<40x125xi32, #tpu.memory_space<vmem>> -> memref<1x125xi32, #tpu.memory_space<vmem>>
        %dma_start3A_59 = tpu.memref_squeeze %dma_start3A_58 : memref<1x125xi32, #tpu.memory_space<vmem>> -> memref<125xi32, #tpu.memory_space<vmem>>
        %dma_start3A_60 = arith.constant 0 : i32
        %dma_start3A_61 = arith.constant 0 : i32
        %dma_start3A_62 = tpu.memref_slice %arg11[%dma_start3A_60, %dma_start3A_61] : memref<10240x128xf32, #tpu.memory_space<vmem_shared>> -> memref<10240x128xf32, #tpu.memory_space<vmem_shared>>
        tpu.enqueue_indirect_dma source(%arg9 : memref<125x128xf32, #tpu.memory_space<vmem>>) target(%dma_start3A_62 : memref<10240x128xf32, #tpu.memory_space<vmem_shared>>) offsets(%dma_start3A_59 : memref<125xi32, #tpu.memory_space<vmem>>) semaphore(%run_scoped3A : memref<!tpu.dma_semaphore, #tpu.memory_space<semaphore_mem>>) {add = true}
        %dma_wait3A_63 = arith.constant 0 : i32
        %dma_wait3A_64 = tpu.memref_slice %arg8[%mul3A_29, %dma_wait3A_63] : memref<40x125xi32, #tpu.memory_space<vmem>> -> memref<1x125xi32, #tpu.memory_space<vmem>>
        %dma_wait3A_65 = tpu.memref_squeeze %dma_wait3A_64 : memref<1x125xi32, #tpu.memory_space<vmem>> -> memref<125xi32, #tpu.memory_space<vmem>>
        %dma_wait3A_66 = arith.constant 0 : i32
        %dma_wait3A_67 = arith.constant 0 : i32
        %dma_wait3A_68 = tpu.memref_slice %arg11[%dma_wait3A_66, %dma_wait3A_67] : memref<10240x128xf32, #tpu.memory_space<vmem_shared>> -> memref<10240x128xf32, #tpu.memory_space<vmem_shared>>
        tpu.wait_indirect_dma semaphore(%run_scoped3A : memref<!tpu.dma_semaphore, #tpu.memory_space<semaphore_mem>>) src(%arg9 : memref<125x128xf32, #tpu.memory_space<vmem>>) dst(%dma_wait3A_68 : memref<10240x128xf32, #tpu.memory_space<vmem_shared>>)
        tpu.yield
      }) : () -> ()
      %add3A_43 = arith.constant 1 : i32
      %add3A_44 = arith.addi %mul3A_29, %add3A_43 : i32
      %dma_wait3A_45 = arith.constant 0 : i32
      %dma_wait3A_46 = tpu.memref_slice %arg7[%add3A_44, %dma_wait3A_45] : memref<40x125xi32, #tpu.memory_space<vmem>> -> memref<1x125xi32, #tpu.memory_space<vmem>>
      %dma_wait3A_47 = tpu.memref_squeeze %dma_wait3A_46 : memref<1x125xi32, #tpu.memory_space<vmem>> -> memref<125xi32, #tpu.memory_space<vmem>>
      %dma_wait3A_48 = arith.constant 0 : i32
      %dma_wait3A_49 = arith.constant 0 : i32
      %dma_wait3A_50 = tpu.memref_slice %arg2[%dma_wait3A_48, %dma_wait3A_49] : memref<10240x128xf32, #tpu.memory_space<hbm>> -> memref<10240x128xf32, #tpu.memory_space<hbm>>
      tpu.wait_indirect_dma semaphore(%arg13 : memref<!tpu.dma_semaphore, #tpu.memory_space<semaphore_mem>>) src(%dma_wait3A_50 : memref<10240x128xf32, #tpu.memory_space<hbm>>) dst(%arg10 : memref<125x128xf32, #tpu.memory_space<vmem>>)
      %lt3A = arith.constant 19 : i32
      %lt3A_51 = arith.cmpi slt, %scan3A_27, %lt3A : i32
      %convert_element_type3A_52 = arith.extui %lt3A_51 : i1 to i32
      %cond3A_53 = arith.constant 0 : i32
      %cond3A_54 = arith.cmpi ne, %convert_element_type3A_52, %cond3A_53 : i32
      scf.if %cond3A_54 {
        %add3A_57 = arith.constant 2 : i32
        %add3A_58 = arith.addi %mul3A_29, %add3A_57 : i32
        %dma_start3A_59 = arith.constant 0 : i32
        %dma_start3A_60 = tpu.memref_slice %arg7[%add3A_58, %dma_start3A_59] : memref<40x125xi32, #tpu.memory_space<vmem>> -> memref<1x125xi32, #tpu.memory_space<vmem>>
        %dma_start3A_61 = tpu.memref_squeeze %dma_start3A_60 : memref<1x125xi32, #tpu.memory_space<vmem>> -> memref<125xi32, #tpu.memory_space<vmem>>
        %dma_start3A_62 = arith.constant 0 : i32
        %dma_start3A_63 = arith.constant 0 : i32
        %dma_start3A_64 = tpu.memref_slice %arg2[%dma_start3A_62, %dma_start3A_63] : memref<10240x128xf32, #tpu.memory_space<hbm>> -> memref<10240x128xf32, #tpu.memory_space<hbm>>
        tpu.enqueue_indirect_dma source(%dma_start3A_64 : memref<10240x128xf32, #tpu.memory_space<hbm>>) target(%arg9 : memref<125x128xf32, #tpu.memory_space<vmem>>) offsets(%dma_start3A_61 : memref<125xi32, #tpu.memory_space<vmem>>) semaphore(%arg12 : memref<!tpu.dma_semaphore, #tpu.memory_space<semaphore_mem>>)
      } else {
      }
      %add3A_55 = arith.constant 1 : i32
      %add3A_56 = arith.addi %mul3A_29, %add3A_55 : i32
      "tpu.region"() ({
        %run_scoped3A = tpu.sem_alloc : memref<!tpu.dma_semaphore, #tpu.memory_space<semaphore_mem>>
        %dma_start3A_57 = arith.constant 0 : i32
        %dma_start3A_58 = tpu.memref_slice %arg8[%add3A_56, %dma_start3A_57] : memref<40x125xi32, #tpu.memory_space<vmem>> -> memref<1x125xi32, #tpu.memory_space<vmem>>
        %dma_start3A_59 = tpu.memref_squeeze %dma_start3A_58 : memref<1x125xi32, #tpu.memory_space<vmem>> -> memref<125xi32, #tpu.memory_space<vmem>>
        %dma_start3A_60 = arith.constant 0 : i32
        %dma_start3A_61 = arith.constant 0 : i32
        %dma_start3A_62 = tpu.memref_slice %arg11[%dma_start3A_60, %dma_start3A_61] : memref<10240x128xf32, #tpu.memory_space<vmem_shared>> -> memref<10240x128xf32, #tpu.memory_space<vmem_shared>>
        tpu.enqueue_indirect_dma source(%arg10 : memref<125x128xf32, #tpu.memory_space<vmem>>) target(%dma_start3A_62 : memref<10240x128xf32, #tpu.memory_space<vmem_shared>>) offsets(%dma_start3A_59 : memref<125xi32, #tpu.memory_space<vmem>>) semaphore(%run_scoped3A : memref<!tpu.dma_semaphore, #tpu.memory_space<semaphore_mem>>) {add = true}
        %dma_wait3A_63 = arith.constant 0 : i32
        %dma_wait3A_64 = tpu.memref_slice %arg8[%add3A_56, %dma_wait3A_63] : memref<40x125xi32, #tpu.memory_space<vmem>> -> memref<1x125xi32, #tpu.memory_space<vmem>>
        %dma_wait3A_65 = tpu.memref_squeeze %dma_wait3A_64 : memref<1x125xi32, #tpu.memory_space<vmem>> -> memref<125xi32, #tpu.memory_space<vmem>>
        %dma_wait3A_66 = arith.constant 0 : i32
        %dma_wait3A_67 = arith.constant 0 : i32
        %dma_wait3A_68 = tpu.memref_slice %arg11[%dma_wait3A_66, %dma_wait3A_67] : memref<10240x128xf32, #tpu.memory_space<vmem_shared>> -> memref<10240x128xf32, #tpu.memory_space<vmem_shared>>
        tpu.wait_indirect_dma semaphore(%run_scoped3A : memref<!tpu.dma_semaphore, #tpu.memory_space<semaphore_mem>>) src(%arg10 : memref<125x128xf32, #tpu.memory_space<vmem>>) dst(%dma_wait3A_68 : memref<10240x128xf32, #tpu.memory_space<vmem_shared>>)
        tpu.yield
      }) : () -> ()
    }
    %scan3A_18 = arith.constant 20 : i32
    %barrier3A_19 = arith.constant 0 : index
    tpu.barrier barrier_id(%barrier3A_19)
    %mul3A_20 = arith.constant 10240 : i32
    %mul3A_21 = arith.muli %arg0, %mul3A_20 : i32
    %mul3A_22 = arith.constant 640 : i32
    %mul3A_23 = arith.muli %arg1, %mul3A_22 : i32
    %add3A_24 = arith.addi %mul3A_21, %mul3A_23 : i32
    %mul3A_25 = arith.constant 640 : i32
    %mul3A_26 = arith.muli %arg1, %mul3A_25 : i32
    "tpu.region"() ({
      %run_scoped3A = tpu.sem_alloc : memref<!tpu.dma_semaphore, #tpu.memory_space<semaphore_mem>>
      %dma_start3A_27 = arith.constant 0 : i32
      %dma_start3A_28 = tpu.memref_slice %arg6[%add3A_24, %dma_start3A_27] : memref<20480x128xf32, #tpu.memory_space<hbm>> -> memref<640x128xf32, #tpu.memory_space<hbm>>
      %dma_start3A_29 = arith.constant 0 : i32
      %dma_start3A_30 = tpu.memref_slice %arg11[%mul3A_26, %dma_start3A_29] : memref<10240x128xf32, #tpu.memory_space<vmem_shared>> -> memref<640x128xf32, #tpu.memory_space<vmem_shared>>
      tpu.enqueue_dma source(%dma_start3A_30 : memref<640x128xf32, #tpu.memory_space<vmem_shared>>) target(%dma_start3A_28 : memref<640x128xf32, #tpu.memory_space<hbm>>) target_semaphore(%run_scoped3A : memref<!tpu.dma_semaphore, #tpu.memory_space<semaphore_mem>>)
      %dma_wait3A = arith.constant 0 : i32
      %dma_wait3A_31 = tpu.memref_slice %arg6[%add3A_24, %dma_wait3A] : memref<20480x128xf32, #tpu.memory_space<hbm>> -> memref<640x128xf32, #tpu.memory_space<hbm>>
      %dma_wait3A_32 = arith.constant 0 : i32
      %dma_wait3A_33 = tpu.memref_slice %arg11[%mul3A_26, %dma_wait3A_32] : memref<10240x128xf32, #tpu.memory_space<vmem_shared>> -> memref<640x128xf32, #tpu.memory_space<vmem_shared>>
      tpu.wait_dma2 semaphore(%run_scoped3A : memref<!tpu.dma_semaphore, #tpu.memory_space<semaphore_mem>>) src(%dma_wait3A_33 : memref<640x128xf32, #tpu.memory_space<vmem_shared>>) dst(%dma_wait3A_31 : memref<640x128xf32, #tpu.memory_space<hbm>>)
      tpu.yield
    }) : () -> ()
    return
  }
}

module attributes {stable_mosaic.version = 14 : i64} {
  func.func @_lin1_body(%arg0: i32, %arg1: memref<2000x288xf32, #tpu.memory_space<vmem>>, %arg2: memref<2000x3xf32, #tpu.memory_space<vmem>>, %arg3: memref<2000x4xf32, #tpu.memory_space<vmem>>, %arg4: memref<2000x3xf32, #tpu.memory_space<vmem>>, %arg5: memref<2000x3xf32, #tpu.memory_space<vmem>>, %arg6: memref<2000x1xf32, #tpu.memory_space<vmem>>, %arg7: memref<288x128xbf16, #tpu.memory_space<vmem>>, %arg8: memref<14x128xbf16, #tpu.memory_space<vmem>>, %arg9: memref<1x3xf32, #tpu.memory_space<vmem>>, %arg10: memref<2000x1xf32, #tpu.memory_space<vmem>>, %arg11: memref<2000x128xf32, #tpu.memory_space<vmem>>, %arg12: memref<2000x1xf32, #tpu.memory_space<vmem>>) attributes {dimension_semantics = [#tpu.dimension_semantics<arbitrary>], iteration_bounds = array<i64: 5>, scalar_prefetch = 0 : i64, scratch_operands = 0 : i64, tpu.core_type = #tpu.core_type<tc>, window_params = [{transform_indices = @transform_0, window_bounds = array<i64: 2000, 288>}, {transform_indices = @transform_1, window_bounds = array<i64: 2000, 3>}, {transform_indices = @transform_2, window_bounds = array<i64: 2000, 4>}, {transform_indices = @transform_3, window_bounds = array<i64: 2000, 3>}, {transform_indices = @transform_4, window_bounds = array<i64: 2000, 3>}, {transform_indices = @transform_5, window_bounds = array<i64: 2000, 1>}, {pipeline_mode = #tpu.pipeline_mode<synchronous>, transform_indices = @transform_6, window_bounds = array<i64: 288, 128>}, {pipeline_mode = #tpu.pipeline_mode<synchronous>, transform_indices = @transform_7, window_bounds = array<i64: 14, 128>}, {pipeline_mode = #tpu.pipeline_mode<synchronous>, transform_indices = @transform_8, window_bounds = array<i64: 1, 3>}, {transform_indices = @transform_9, window_bounds = array<i64: 2000, 1>}, {transform_indices = @transform_10, window_bounds = array<i64: 2000, 128>}, {transform_indices = @transform_11, window_bounds = array<i64: 2000, 1>}]} {
    %get3A = arith.constant 0 : index
    %get3A_0 = arith.constant 0 : index
    %get3A_1 = vector.load %arg10[%get3A, %get3A_0] : memref<2000x1xf32, #tpu.memory_space<vmem>>, vector<2000x1xf32>
    %add3A = arith.constant 1.000000e+00 : f32
    %add3A_2 = vector.broadcast %add3A : f32 to vector<2000x1xf32>
    %add3A_3 = arith.addf %get3A_1, %add3A_2 : vector<2000x1xf32>
    %rsqrt3A = math.rsqrt %add3A_3 : vector<2000x1xf32>
    %get3A_4 = arith.constant 0 : index
    %get3A_5 = arith.constant 0 : index
    %get3A_6 = vector.load %arg2[%get3A_4, %get3A_5] : memref<2000x3xf32, #tpu.memory_space<vmem>>, vector<2000x3xf32>
    %get3A_7 = arith.constant 0 : index
    %get3A_8 = arith.constant 0 : index
    %get3A_9 = vector.load %arg9[%get3A_7, %get3A_8] : memref<1x3xf32, #tpu.memory_space<vmem>>, vector<1x3xf32>
    %mul3A = vector.broadcast %get3A_9 : vector<1x3xf32> to vector<2000x3xf32>
    %mul3A_10 = arith.mulf %get3A_6, %mul3A : vector<2000x3xf32>
    %mul3A_11 = arith.constant 0.318309873 : f32
    %mul3A_12 = vector.broadcast %mul3A_11 : f32 to vector<2000x3xf32>
    %mul3A_13 = arith.mulf %mul3A_10, %mul3A_12 : vector<2000x3xf32>
    %round3A = math.roundeven %mul3A_13 : vector<2000x3xf32>
    %mul3A_14 = arith.constant 3.14159274 : f32
    %mul3A_15 = vector.broadcast %mul3A_14 : f32 to vector<2000x3xf32>
    %mul3A_16 = arith.mulf %round3A, %mul3A_15 : vector<2000x3xf32>
    %sub3A = arith.subf %mul3A_10, %mul3A_16 : vector<2000x3xf32>
    %convert_element_type3A = arith.fptosi %round3A : vector<2000x3xf32> to vector<2000x3xi32>
    %and3A = arith.constant 1 : i32
    %and3A_17 = vector.broadcast %and3A : i32 to vector<2000x3xi32>
    %and3A_18 = arith.andi %convert_element_type3A, %and3A_17 : vector<2000x3xi32>
    %eq3A = arith.constant 0 : i32
    %eq3A_19 = vector.broadcast %eq3A : i32 to vector<2000x3xi32>
    %eq3A_20 = arith.cmpi eq, %and3A_18, %eq3A_19 : vector<2000x3xi32>
    %jit3A = arith.constant 1.000000e+00 : f32
    %jit3A_21 = arith.constant -1.000000e+00 : f32
    %broadcast_in_dim3A = vector.broadcast %jit3A : f32 to vector<2000x3xf32>
    %broadcast_in_dim3A_22 = vector.broadcast %jit3A_21 : f32 to vector<2000x3xf32>
    %select_n3A = arith.select %eq3A_20, %broadcast_in_dim3A, %broadcast_in_dim3A_22 : vector<2000x3xi1>, vector<2000x3xf32>
    %mul3A_23 = arith.mulf %sub3A, %sub3A : vector<2000x3xf32>
    %mul3A_24 = arith.constant 2.75255616E-6 : f32
    %mul3A_25 = vector.broadcast %mul3A_24 : f32 to vector<2000x3xf32>
    %mul3A_26 = arith.mulf %mul3A_23, %mul3A_25 : vector<2000x3xf32>
    %add3A_27 = arith.constant -1.98408743E-4 : f32
    %add3A_28 = vector.broadcast %add3A_27 : f32 to vector<2000x3xf32>
    %add3A_29 = arith.addf %add3A_28, %mul3A_26 : vector<2000x3xf32>
    %mul3A_30 = arith.mulf %mul3A_23, %add3A_29 : vector<2000x3xf32>
    %add3A_31 = arith.constant 0.00833333097 : f32
    %add3A_32 = vector.broadcast %add3A_31 : f32 to vector<2000x3xf32>
    %add3A_33 = arith.addf %add3A_32, %mul3A_30 : vector<2000x3xf32>
    %mul3A_34 = arith.mulf %mul3A_23, %add3A_33 : vector<2000x3xf32>
    %add3A_35 = arith.constant -0.166666672 : f32
    %add3A_36 = vector.broadcast %add3A_35 : f32 to vector<2000x3xf32>
    %add3A_37 = arith.addf %add3A_36, %mul3A_34 : vector<2000x3xf32>
    %mul3A_38 = arith.mulf %mul3A_23, %add3A_37 : vector<2000x3xf32>
    %add3A_39 = arith.constant 1.000000e+00 : f32
    %add3A_40 = vector.broadcast %add3A_39 : f32 to vector<2000x3xf32>
    %add3A_41 = arith.addf %add3A_40, %mul3A_38 : vector<2000x3xf32>
    %mul3A_42 = arith.mulf %sub3A, %add3A_41 : vector<2000x3xf32>
    %mul3A_43 = arith.mulf %select_n3A, %mul3A_42 : vector<2000x3xf32>
    %get3A_44 = arith.constant 0 : index
    %get3A_45 = arith.constant 0 : index
    %get3A_46 = vector.load %arg3[%get3A_44, %get3A_45] : memref<2000x4xf32, #tpu.memory_space<vmem>>, vector<2000x4xf32>
    %get3A_47 = arith.constant 0 : index
    %get3A_48 = arith.constant 0 : index
    %get3A_49 = vector.load %arg4[%get3A_47, %get3A_48] : memref<2000x3xf32, #tpu.memory_space<vmem>>, vector<2000x3xf32>
    %get3A_50 = arith.constant 0 : index
    %get3A_51 = arith.constant 0 : index
    %get3A_52 = vector.load %arg5[%get3A_50, %get3A_51] : memref<2000x3xf32, #tpu.memory_space<vmem>>, vector<2000x3xf32>
    %get3A_53 = arith.constant 0 : index
    %get3A_54 = arith.constant 0 : index
    %get3A_55 = vector.load %arg6[%get3A_53, %get3A_54] : memref<2000x1xf32, #tpu.memory_space<vmem>>, vector<2000x1xf32>
    %concatenate3A = tpu.concatenate %mul3A_43, %get3A_46, %get3A_49, %get3A_52, %get3A_55 in 1 : vector<2000x3xf32>, vector<2000x4xf32>, vector<2000x3xf32>, vector<2000x3xf32>, vector<2000x1xf32> -> vector<2000x14xf32>
    %get3A_56 = arith.constant 0 : index
    %get3A_57 = arith.constant 0 : index
    %get3A_58 = vector.load %arg1[%get3A_56, %get3A_57] : memref<2000x288xf32, #tpu.memory_space<vmem>>, vector<2000x288xf32>
    %convert_element_type3A_59 = arith.truncf %get3A_58 : vector<2000x288xf32> to vector<2000x288xbf16>
    %get3A_60 = arith.constant 0 : index
    %get3A_61 = arith.constant 0 : index
    %get3A_62 = vector.load %arg7[%get3A_60, %get3A_61] : memref<288x128xbf16, #tpu.memory_space<vmem>>, vector<288x128xbf16>
    %dot_general3A = arith.constant dense<0.000000e+00> : vector<2000x128xf32>
    %dot_general3A_63 = tpu.matmul %convert_element_type3A_59, %get3A_62, %dot_general3A {dimension_numbers = #tpu.dot_dimension_numbers<[1], [0], [0], [1], [0, 0, 1, 1], [], []>, transpose_lhs_hint = false} : vector<2000x288xbf16>, vector<288x128xbf16>, vector<2000x128xf32> -> vector<2000x128xf32>
    %convert_element_type3A_64 = arith.truncf %concatenate3A : vector<2000x14xf32> to vector<2000x14xbf16>
    %get3A_65 = arith.constant 0 : index
    %get3A_66 = arith.constant 0 : index
    %get3A_67 = vector.load %arg8[%get3A_65, %get3A_66] : memref<14x128xbf16, #tpu.memory_space<vmem>>, vector<14x128xbf16>
    %dot_general3A_68 = arith.constant dense<0.000000e+00> : vector<2000x128xf32>
    %dot_general3A_69 = tpu.matmul %convert_element_type3A_64, %get3A_67, %dot_general3A_68 {dimension_numbers = #tpu.dot_dimension_numbers<[1], [0], [0], [1], [0, 0, 1, 1], [], []>, transpose_lhs_hint = false} : vector<2000x14xbf16>, vector<14x128xbf16>, vector<2000x128xf32> -> vector<2000x128xf32>
    %add3A_70 = arith.addf %dot_general3A_63, %dot_general3A_69 : vector<2000x128xf32>
    %mul3A_71 = vector.broadcast %rsqrt3A : vector<2000x1xf32> to vector<2000x128xf32>
    %mul3A_72 = arith.mulf %add3A_70, %mul3A_71 : vector<2000x128xf32>
    %swap3A = arith.constant 0 : index
    %swap3A_73 = arith.constant 0 : index
    %swap3A_74 = vector.load %arg11[%swap3A, %swap3A_73] : memref<2000x128xf32, #tpu.memory_space<vmem>>, vector<2000x128xf32>
    tpu.vector_store %arg11[%swap3A, %swap3A_73], %mul3A_72 {strides = array<i32>} : memref<2000x128xf32, #tpu.memory_space<vmem>>, vector<2000x128xf32>,
    %swap3A_75 = arith.constant 0 : index
    %swap3A_76 = arith.constant 0 : index
    %swap3A_77 = vector.load %arg12[%swap3A_75, %swap3A_76] : memref<2000x1xf32, #tpu.memory_space<vmem>>, vector<2000x1xf32>
    tpu.vector_store %arg12[%swap3A_75, %swap3A_76], %rsqrt3A {strides = array<i32>} : memref<2000x1xf32, #tpu.memory_space<vmem>>, vector<2000x1xf32>,
    return
  }
  func.func @transform_0(%arg0: i32) -> (i32, i32) {
    %c0_i32 = arith.constant 0 : i32
    %c0_i32_0 = arith.constant 0 : i32
    return %arg0, %c0_i32 : i32, i32
  }
  func.func @transform_1(%arg0: i32) -> (i32, i32) {
    %c0_i32 = arith.constant 0 : i32
    %c0_i32_0 = arith.constant 0 : i32
    return %arg0, %c0_i32 : i32, i32
  }
  func.func @transform_2(%arg0: i32) -> (i32, i32) {
    %c0_i32 = arith.constant 0 : i32
    %c0_i32_0 = arith.constant 0 : i32
    return %arg0, %c0_i32 : i32, i32
  }
  func.func @transform_3(%arg0: i32) -> (i32, i32) {
    %c0_i32 = arith.constant 0 : i32
    %c0_i32_0 = arith.constant 0 : i32
    return %arg0, %c0_i32 : i32, i32
  }
  func.func @transform_4(%arg0: i32) -> (i32, i32) {
    %c0_i32 = arith.constant 0 : i32
    %c0_i32_0 = arith.constant 0 : i32
    return %arg0, %c0_i32 : i32, i32
  }
  func.func @transform_5(%arg0: i32) -> (i32, i32) {
    %c0_i32 = arith.constant 0 : i32
    %c0_i32_0 = arith.constant 0 : i32
    return %arg0, %c0_i32 : i32, i32
  }
  func.func @transform_6(%arg0: i32) -> (i32, i32) {
    %c0_i32 = arith.constant 0 : i32
    %c0_i32_0 = arith.constant 0 : i32
    %c0_i32_1 = arith.constant 0 : i32
    return %c0_i32, %c0_i32_0 : i32, i32
  }
  func.func @transform_7(%arg0: i32) -> (i32, i32) {
    %c0_i32 = arith.constant 0 : i32
    %c0_i32_0 = arith.constant 0 : i32
    %c0_i32_1 = arith.constant 0 : i32
    return %c0_i32, %c0_i32_0 : i32, i32
  }
  func.func @transform_8(%arg0: i32) -> (i32, i32) {
    %c0_i32 = arith.constant 0 : i32
    %c0_i32_0 = arith.constant 0 : i32
    %c0_i32_1 = arith.constant 0 : i32
    return %c0_i32, %c0_i32_0 : i32, i32
  }
  func.func @transform_9(%arg0: i32) -> (i32, i32) {
    %c0_i32 = arith.constant 0 : i32
    %c0_i32_0 = arith.constant 0 : i32
    return %arg0, %c0_i32 : i32, i32
  }
  func.func @transform_10(%arg0: i32) -> (i32, i32) {
    %c0_i32 = arith.constant 0 : i32
    %c0_i32_0 = arith.constant 0 : i32
    return %arg0, %c0_i32 : i32, i32
  }
  func.func @transform_11(%arg0: i32) -> (i32, i32) {
    %c0_i32 = arith.constant 0 : i32
    %c0_i32_0 = arith.constant 0 : i32
    return %arg0, %c0_i32 : i32, i32
  }
}

module attributes {stable_mosaic.version = 14 : i64} {
  func.func @_mid_body(%arg0: i32, %arg1: memref<2x2000x128xf32, #tpu.memory_space<vmem>>, %arg2: memref<2000x1xf32, #tpu.memory_space<vmem>>, %arg3: memref<1x128xf32, #tpu.memory_space<vmem>>, %arg4: memref<128x128xf32, #tpu.memory_space<vmem>>, %arg5: memref<2000x128xf32, #tpu.memory_space<vmem>>) attributes {dimension_semantics = [#tpu.dimension_semantics<arbitrary>], iteration_bounds = array<i64: 5>, scalar_prefetch = 0 : i64, scratch_operands = 0 : i64, tpu.core_type = #tpu.core_type<tc>, window_params = [{transform_indices = @transform_0, window_bounds = array<i64: 2, 2000, 128>}, {transform_indices = @transform_1, window_bounds = array<i64: 2000, 1>}, {pipeline_mode = #tpu.pipeline_mode<synchronous>, transform_indices = @transform_2, window_bounds = array<i64: 1, 128>}, {pipeline_mode = #tpu.pipeline_mode<synchronous>, transform_indices = @transform_3, window_bounds = array<i64: 128, 128>}, {transform_indices = @transform_4, window_bounds = array<i64: 2000, 128>}]} {
    %get3A = arith.constant 0 : index
    %get3A_0 = arith.constant 0 : index
    %get3A_1 = vector.load %arg2[%get3A, %get3A_0] : memref<2000x1xf32, #tpu.memory_space<vmem>>, vector<2000x1xf32>
    %get3A_2 = arith.constant 0 : index
    %get3A_3 = arith.constant 0 : index
    %get3A_4 = arith.constant 0 : index
    %get3A_5 = vector.load %arg1[%get3A_2, %get3A_3, %get3A_4] : memref<2x2000x128xf32, #tpu.memory_space<vmem>>, vector<1x2000x128xf32>
    %get3A_6 = vector.shape_cast %get3A_5 : vector<1x2000x128xf32> to vector<2000x128xf32>
    %get3A_7 = arith.constant 1 : index
    %get3A_8 = arith.constant 0 : index
    %get3A_9 = arith.constant 0 : index
    %get3A_10 = vector.load %arg1[%get3A_7, %get3A_8, %get3A_9] : memref<2x2000x128xf32, #tpu.memory_space<vmem>>, vector<1x2000x128xf32>
    %get3A_11 = vector.shape_cast %get3A_10 : vector<1x2000x128xf32> to vector<2000x128xf32>
    %add3A = arith.addf %get3A_6, %get3A_11 : vector<2000x128xf32>
    %mul3A = vector.broadcast %get3A_1 : vector<2000x1xf32> to vector<2000x128xf32>
    %mul3A_12 = arith.mulf %mul3A, %add3A : vector<2000x128xf32>
    %get3A_13 = arith.constant 0 : index
    %get3A_14 = arith.constant 0 : index
    %get3A_15 = vector.load %arg3[%get3A_13, %get3A_14] : memref<1x128xf32, #tpu.memory_space<vmem>>, vector<1x128xf32>
    %add3A_16 = vector.broadcast %get3A_15 : vector<1x128xf32> to vector<2000x128xf32>
    %add3A_17 = arith.addf %mul3A_12, %add3A_16 : vector<2000x128xf32>
    %max3A = arith.constant 0.000000e+00 : f32
    %max3A_18 = vector.broadcast %max3A : f32 to vector<2000x128xf32>
    %max3A_19 = arith.maximumf %add3A_17, %max3A_18 : vector<2000x128xf32>
    %get3A_20 = arith.constant 0 : index
    %get3A_21 = arith.constant 0 : index
    %get3A_22 = vector.load %arg4[%get3A_20, %get3A_21] : memref<128x128xf32, #tpu.memory_space<vmem>>, vector<128x128xf32>
    %dot_general3A = arith.constant dense<0.000000e+00> : vector<2000x128xf32>
    %dot_general3A_23 = tpu.matmul %max3A_19, %get3A_22, %dot_general3A {dimension_numbers = #tpu.dot_dimension_numbers<[1], [0], [0], [1], [0, 0, 1, 1], [], []>, transpose_lhs_hint = false} : vector<2000x128xf32>, vector<128x128xf32>, vector<2000x128xf32> -> vector<2000x128xf32>
    %mul3A_24 = vector.broadcast %get3A_1 : vector<2000x1xf32> to vector<2000x128xf32>
    %mul3A_25 = arith.mulf %dot_general3A_23, %mul3A_24 : vector<2000x128xf32>
    %swap3A = arith.constant 0 : index
    %swap3A_26 = arith.constant 0 : index
    %swap3A_27 = vector.load %arg5[%swap3A, %swap3A_26] : memref<2000x128xf32, #tpu.memory_space<vmem>>, vector<2000x128xf32>
    tpu.vector_store %arg5[%swap3A, %swap3A_26], %mul3A_25 {strides = array<i32>} : memref<2000x128xf32, #tpu.memory_space<vmem>>, vector<2000x128xf32>,
    return
  }
  func.func @transform_0(%arg0: i32) -> (i32, i32, i32) {
    %c0_i32 = arith.constant 0 : i32
    %c0_i32_0 = arith.constant 0 : i32
    %c0_i32_1 = arith.constant 0 : i32
    return %c0_i32, %arg0, %c0_i32_0 : i32, i32, i32
  }
  func.func @transform_1(%arg0: i32) -> (i32, i32) {
    %c0_i32 = arith.constant 0 : i32
    %c0_i32_0 = arith.constant 0 : i32
    return %arg0, %c0_i32 : i32, i32
  }
  func.func @transform_2(%arg0: i32) -> (i32, i32) {
    %c0_i32 = arith.constant 0 : i32
    %c0_i32_0 = arith.constant 0 : i32
    %c0_i32_1 = arith.constant 0 : i32
    return %c0_i32, %c0_i32_0 : i32, i32
  }
  func.func @transform_3(%arg0: i32) -> (i32, i32) {
    %c0_i32 = arith.constant 0 : i32
    %c0_i32_0 = arith.constant 0 : i32
    %c0_i32_1 = arith.constant 0 : i32
    return %c0_i32, %c0_i32_0 : i32, i32
  }
  func.func @transform_4(%arg0: i32) -> (i32, i32) {
    %c0_i32 = arith.constant 0 : i32
    %c0_i32_0 = arith.constant 0 : i32
    return %arg0, %c0_i32 : i32, i32
  }
}

module attributes {stable_mosaic.version = 14 : i64} {
  func.func @_heads_body(%arg0: i32, %arg1: memref<2x2000x128xf32, #tpu.memory_space<vmem>>, %arg2: memref<2000x1xf32, #tpu.memory_space<vmem>>, %arg3: memref<1x128xf32, #tpu.memory_space<vmem>>, %arg4: memref<128x320xbf16, #tpu.memory_space<vmem>>, %arg5: memref<1x320xf32, #tpu.memory_space<vmem>>, %arg6: memref<320x14xbf16, #tpu.memory_space<vmem>>, %arg7: memref<1x14xf32, #tpu.memory_space<vmem>>, %arg8: memref<2000x14xf32, #tpu.memory_space<vmem>>, %arg9: memref<1x14xf32, #tpu.memory_space<vmem>>, %arg10: memref<1x14xf32, #tpu.memory_space<vmem>>, %arg11: memref<1x14xf32, #tpu.memory_space<vmem>>, %arg12: memref<2000x3xf32, #tpu.memory_space<vmem>>, %arg13: memref<2000x4xf32, #tpu.memory_space<vmem>>, %arg14: memref<2000x3xf32, #tpu.memory_space<vmem>>, %arg15: memref<2000x3xf32, #tpu.memory_space<vmem>>, %arg16: memref<2000x1xf32, #tpu.memory_space<vmem>>) attributes {dimension_semantics = [#tpu.dimension_semantics<arbitrary>], iteration_bounds = array<i64: 5>, scalar_prefetch = 0 : i64, scratch_operands = 0 : i64, tpu.core_type = #tpu.core_type<tc>, window_params = [{transform_indices = @transform_0, window_bounds = array<i64: 2, 2000, 128>}, {transform_indices = @transform_1, window_bounds = array<i64: 2000, 1>}, {pipeline_mode = #tpu.pipeline_mode<synchronous>, transform_indices = @transform_2, window_bounds = array<i64: 1, 128>}, {pipeline_mode = #tpu.pipeline_mode<synchronous>, transform_indices = @transform_3, window_bounds = array<i64: 128, 320>}, {pipeline_mode = #tpu.pipeline_mode<synchronous>, transform_indices = @transform_4, window_bounds = array<i64: 1, 320>}, {pipeline_mode = #tpu.pipeline_mode<synchronous>, transform_indices = @transform_5, window_bounds = array<i64: 320, 14>}, {pipeline_mode = #tpu.pipeline_mode<synchronous>, transform_indices = @transform_6, window_bounds = array<i64: 1, 14>}, {transform_indices = @transform_7, window_bounds = array<i64: 2000, 14>}, {pipeline_mode = #tpu.pipeline_mode<synchronous>, transform_indices = @transform_8, window_bounds = array<i64: 1, 14>}, {pipeline_mode = #tpu.pipeline_mode<synchronous>, transform_indices = @transform_9, window_bounds = array<i64: 1, 14>}, {pipeline_mode = #tpu.pipeline_mode<synchronous>, transform_indices = @transform_10, window_bounds = array<i64: 1, 14>}, {transform_indices = @transform_11, window_bounds = array<i64: 2000, 3>}, {transform_indices = @transform_12, window_bounds = array<i64: 2000, 4>}, {transform_indices = @transform_13, window_bounds = array<i64: 2000, 3>}, {transform_indices = @transform_14, window_bounds = array<i64: 2000, 3>}, {transform_indices = @transform_15, window_bounds = array<i64: 2000, 1>}]} {
    %get3A = arith.constant 0 : index
    %get3A_0 = arith.constant 0 : index
    %get3A_1 = vector.load %arg2[%get3A, %get3A_0] : memref<2000x1xf32, #tpu.memory_space<vmem>>, vector<2000x1xf32>
    %get3A_2 = arith.constant 0 : index
    %get3A_3 = arith.constant 0 : index
    %get3A_4 = arith.constant 0 : index
    %get3A_5 = vector.load %arg1[%get3A_2, %get3A_3, %get3A_4] : memref<2x2000x128xf32, #tpu.memory_space<vmem>>, vector<1x2000x128xf32>
    %get3A_6 = vector.shape_cast %get3A_5 : vector<1x2000x128xf32> to vector<2000x128xf32>
    %get3A_7 = arith.constant 1 : index
    %get3A_8 = arith.constant 0 : index
    %get3A_9 = arith.constant 0 : index
    %get3A_10 = vector.load %arg1[%get3A_7, %get3A_8, %get3A_9] : memref<2x2000x128xf32, #tpu.memory_space<vmem>>, vector<1x2000x128xf32>
    %get3A_11 = vector.shape_cast %get3A_10 : vector<1x2000x128xf32> to vector<2000x128xf32>
    %add3A = arith.addf %get3A_6, %get3A_11 : vector<2000x128xf32>
    %mul3A = vector.broadcast %get3A_1 : vector<2000x1xf32> to vector<2000x128xf32>
    %mul3A_12 = arith.mulf %mul3A, %add3A : vector<2000x128xf32>
    %get3A_13 = arith.constant 0 : index
    %get3A_14 = arith.constant 0 : index
    %get3A_15 = vector.load %arg3[%get3A_13, %get3A_14] : memref<1x128xf32, #tpu.memory_space<vmem>>, vector<1x128xf32>
    %add3A_16 = vector.broadcast %get3A_15 : vector<1x128xf32> to vector<2000x128xf32>
    %add3A_17 = arith.addf %mul3A_12, %add3A_16 : vector<2000x128xf32>
    %max3A = arith.constant 0.000000e+00 : f32
    %max3A_18 = vector.broadcast %max3A : f32 to vector<2000x128xf32>
    %max3A_19 = arith.maximumf %add3A_17, %max3A_18 : vector<2000x128xf32>
    %convert_element_type3A = arith.truncf %max3A_19 : vector<2000x128xf32> to vector<2000x128xbf16>
    %get3A_20 = arith.constant 0 : index
    %get3A_21 = arith.constant 0 : index
    %get3A_22 = vector.load %arg4[%get3A_20, %get3A_21] : memref<128x320xbf16, #tpu.memory_space<vmem>>, vector<128x320xbf16>
    %dot_general3A = arith.constant dense<0.000000e+00> : vector<2000x320xf32>
    %dot_general3A_23 = tpu.matmul %convert_element_type3A, %get3A_22, %dot_general3A {dimension_numbers = #tpu.dot_dimension_numbers<[1], [0], [0], [1], [0, 0, 1, 1], [], []>, transpose_lhs_hint = false} : vector<2000x128xbf16>, vector<128x320xbf16>, vector<2000x320xf32> -> vector<2000x320xf32>
    %get3A_24 = arith.constant 0 : index
    %get3A_25 = arith.constant 0 : index
    %get3A_26 = vector.load %arg5[%get3A_24, %get3A_25] : memref<1x320xf32, #tpu.memory_space<vmem>>, vector<1x320xf32>
    %add3A_27 = vector.broadcast %get3A_26 : vector<1x320xf32> to vector<2000x320xf32>
    %add3A_28 = arith.addf %dot_general3A_23, %add3A_27 : vector<2000x320xf32>
    %max3A_29 = arith.constant 0.000000e+00 : f32
    %max3A_30 = vector.broadcast %max3A_29 : f32 to vector<2000x320xf32>
    %max3A_31 = arith.maximumf %add3A_28, %max3A_30 : vector<2000x320xf32>
    %convert_element_type3A_32 = arith.truncf %max3A_31 : vector<2000x320xf32> to vector<2000x320xbf16>
    %get3A_33 = arith.constant 0 : index
    %get3A_34 = arith.constant 0 : index
    %get3A_35 = vector.load %arg6[%get3A_33, %get3A_34] : memref<320x14xbf16, #tpu.memory_space<vmem>>, vector<320x14xbf16>
    %dot_general3A_36 = arith.constant dense<0.000000e+00> : vector<2000x14xf32>
    %dot_general3A_37 = tpu.matmul %convert_element_type3A_32, %get3A_35, %dot_general3A_36 {dimension_numbers = #tpu.dot_dimension_numbers<[1], [0], [0], [1], [0, 0, 1, 1], [], []>, transpose_lhs_hint = false} : vector<2000x320xbf16>, vector<320x14xbf16>, vector<2000x14xf32> -> vector<2000x14xf32>
    %get3A_38 = arith.constant 0 : index
    %get3A_39 = arith.constant 0 : index
    %get3A_40 = vector.load %arg7[%get3A_38, %get3A_39] : memref<1x14xf32, #tpu.memory_space<vmem>>, vector<1x14xf32>
    %add3A_41 = vector.broadcast %get3A_40 : vector<1x14xf32> to vector<2000x14xf32>
    %add3A_42 = arith.addf %dot_general3A_37, %add3A_41 : vector<2000x14xf32>
    %get3A_43 = arith.constant 0 : index
    %get3A_44 = arith.constant 0 : index
    %get3A_45 = vector.load %arg8[%get3A_43, %get3A_44] : memref<2000x14xf32, #tpu.memory_space<vmem>>, vector<2000x14xf32>
    %get3A_46 = arith.constant 0 : index
    %get3A_47 = arith.constant 0 : index
    %get3A_48 = vector.load %arg9[%get3A_46, %get3A_47] : memref<1x14xf32, #tpu.memory_space<vmem>>, vector<1x14xf32>
    %mul3A_49 = vector.broadcast %get3A_48 : vector<1x14xf32> to vector<2000x14xf32>
    %mul3A_50 = arith.mulf %add3A_42, %mul3A_49 : vector<2000x14xf32>
    %add3A_51 = arith.addf %get3A_45, %mul3A_50 : vector<2000x14xf32>
    %get3A_52 = arith.constant 0 : index
    %get3A_53 = arith.constant 0 : index
    %get3A_54 = vector.load %arg10[%get3A_52, %get3A_53] : memref<1x14xf32, #tpu.memory_space<vmem>>, vector<1x14xf32>
    %get3A_55 = arith.constant 0 : index
    %get3A_56 = arith.constant 0 : index
    %get3A_57 = vector.load %arg11[%get3A_55, %get3A_56] : memref<1x14xf32, #tpu.memory_space<vmem>>, vector<1x14xf32>
    %max3A_58 = vector.broadcast %get3A_54 : vector<1x14xf32> to vector<2000x14xf32>
    %max3A_59 = arith.maximumf %max3A_58, %add3A_51 : vector<2000x14xf32>
    %min3A = vector.broadcast %get3A_57 : vector<1x14xf32> to vector<2000x14xf32>
    %min3A_60 = arith.minimumf %min3A, %max3A_59 : vector<2000x14xf32>
    %slice3A = vector.extract_strided_slice %add3A_51 {offsets = [0, 3], sizes = [2000, 4], strides = [1, 1]} : vector<2000x14xf32> to vector<2000x4xf32>
    %iota3A = tpu.iota {dimensions = array<i32: 1>} : vector<2000x14xi32>
    %sub3A = arith.constant 3 : i32
    %sub3A_61 = vector.broadcast %sub3A : i32 to vector<2000x14xi32>
    %sub3A_62 = arith.subi %iota3A, %sub3A_61 : vector<2000x14xi32>
    %lt3A = arith.constant 4 : i32
    %lt3A_63 = vector.broadcast %lt3A : i32 to vector<2000x14xi32>
    %lt3A_64 = arith.cmpi ult, %sub3A_62, %lt3A_63 : vector<2000x14xi32>
    %mul3A_65 = arith.mulf %add3A_51, %add3A_51 : vector<2000x14xf32>
    %jit3A = arith.constant 0.000000e+00 : f32
    %broadcast_in_dim3A = vector.broadcast %jit3A : f32 to vector<2000x14xf32>
    %select_n3A = arith.select %lt3A_64, %mul3A_65, %broadcast_in_dim3A : vector<2000x14xi1>, vector<2000x14xf32>
    %reduce_sum3A = arith.constant dense<0.000000e+00> : vector<2000xf32>
    %reduce_sum3A_66 = vector.multi_reduction <add>, %select_n3A, %reduce_sum3A [1] : vector<2000x14xf32> to vector<2000xf32>
    %broadcast_in_dim3A_67 = vector.shape_cast %reduce_sum3A_66 : vector<2000xf32> to vector<2000x1xf32>
    %sqrt3A = math.sqrt %broadcast_in_dim3A_67 : vector<2000x1xf32>
    %slice3A_68 = vector.extract_strided_slice %min3A_60 {offsets = [0, 0], sizes = [2000, 3], strides = [1, 1]} : vector<2000x14xf32> to vector<2000x3xf32>
    %swap3A = arith.constant 0 : index
    %swap3A_69 = arith.constant 0 : index
    %swap3A_70 = vector.load %arg12[%swap3A, %swap3A_69] : memref<2000x3xf32, #tpu.memory_space<vmem>>, vector<2000x3xf32>
    tpu.vector_store %arg12[%swap3A, %swap3A_69], %slice3A_68 {strides = array<i32>} : memref<2000x3xf32, #tpu.memory_space<vmem>>, vector<2000x3xf32>,
    %jit3A_71 = arith.constant 9.99999996E-13 : f32
    %max3A_72 = vector.broadcast %jit3A_71 : f32 to vector<2000x1xf32>
    %max3A_73 = arith.maximumf %max3A_72, %sqrt3A : vector<2000x1xf32>
    %div3A = vector.broadcast %max3A_73 : vector<2000x1xf32> to vector<2000x4xf32>
    %div3A_74 = arith.divf %slice3A, %div3A : vector<2000x4xf32>
    %swap3A_75 = arith.constant 0 : index
    %swap3A_76 = arith.constant 0 : index
    %swap3A_77 = vector.load %arg13[%swap3A_75, %swap3A_76] : memref<2000x4xf32, #tpu.memory_space<vmem>>, vector<2000x4xf32>
    tpu.vector_store %arg13[%swap3A_75, %swap3A_76], %div3A_74 {strides = array<i32>} : memref<2000x4xf32, #tpu.memory_space<vmem>>, vector<2000x4xf32>,
    %slice3A_78 = vector.extract_strided_slice %min3A_60 {offsets = [0, 7], sizes = [2000, 3], strides = [1, 1]} : vector<2000x14xf32> to vector<2000x3xf32>
    %swap3A_79 = arith.constant 0 : index
    %swap3A_80 = arith.constant 0 : index
    %swap3A_81 = vector.load %arg14[%swap3A_79, %swap3A_80] : memref<2000x3xf32, #tpu.memory_space<vmem>>, vector<2000x3xf32>
    tpu.vector_store %arg14[%swap3A_79, %swap3A_80], %slice3A_78 {strides = array<i32>} : memref<2000x3xf32, #tpu.memory_space<vmem>>, vector<2000x3xf32>,
    %slice3A_82 = vector.extract_strided_slice %min3A_60 {offsets = [0, 10], sizes = [2000, 3], strides = [1, 1]} : vector<2000x14xf32> to vector<2000x3xf32>
    %swap3A_83 = arith.constant 0 : index
    %swap3A_84 = arith.constant 0 : index
    %swap3A_85 = vector.load %arg15[%swap3A_83, %swap3A_84] : memref<2000x3xf32, #tpu.memory_space<vmem>>, vector<2000x3xf32>
    tpu.vector_store %arg15[%swap3A_83, %swap3A_84], %slice3A_82 {strides = array<i32>} : memref<2000x3xf32, #tpu.memory_space<vmem>>, vector<2000x3xf32>,
    %slice3A_86 = vector.extract_strided_slice %min3A_60 {offsets = [0, 13], sizes = [2000, 1], strides = [1, 1]} : vector<2000x14xf32> to vector<2000x1xf32>
    %swap3A_87 = arith.constant 0 : index
    %swap3A_88 = arith.constant 0 : index
    %swap3A_89 = vector.load %arg16[%swap3A_87, %swap3A_88] : memref<2000x1xf32, #tpu.memory_space<vmem>>, vector<2000x1xf32>
    tpu.vector_store %arg16[%swap3A_87, %swap3A_88], %slice3A_86 {strides = array<i32>} : memref<2000x1xf32, #tpu.memory_space<vmem>>, vector<2000x1xf32>,
    return
  }
  func.func @transform_0(%arg0: i32) -> (i32, i32, i32) {
    %c0_i32 = arith.constant 0 : i32
    %c0_i32_0 = arith.constant 0 : i32
    %c0_i32_1 = arith.constant 0 : i32
    return %c0_i32, %arg0, %c0_i32_0 : i32, i32, i32
  }
  func.func @transform_1(%arg0: i32) -> (i32, i32) {
    %c0_i32 = arith.constant 0 : i32
    %c0_i32_0 = arith.constant 0 : i32
    return %arg0, %c0_i32 : i32, i32
  }
  func.func @transform_2(%arg0: i32) -> (i32, i32) {
    %c0_i32 = arith.constant 0 : i32
    %c0_i32_0 = arith.constant 0 : i32
    %c0_i32_1 = arith.constant 0 : i32
    return %c0_i32, %c0_i32_0 : i32, i32
  }
  func.func @transform_3(%arg0: i32) -> (i32, i32) {
    %c0_i32 = arith.constant 0 : i32
    %c0_i32_0 = arith.constant 0 : i32
    %c0_i32_1 = arith.constant 0 : i32
    return %c0_i32, %c0_i32_0 : i32, i32
  }
  func.func @transform_4(%arg0: i32) -> (i32, i32) {
    %c0_i32 = arith.constant 0 : i32
    %c0_i32_0 = arith.constant 0 : i32
    %c0_i32_1 = arith.constant 0 : i32
    return %c0_i32, %c0_i32_0 : i32, i32
  }
  func.func @transform_5(%arg0: i32) -> (i32, i32) {
    %c0_i32 = arith.constant 0 : i32
    %c0_i32_0 = arith.constant 0 : i32
    %c0_i32_1 = arith.constant 0 : i32
    return %c0_i32, %c0_i32_0 : i32, i32
  }
  func.func @transform_6(%arg0: i32) -> (i32, i32) {
    %c0_i32 = arith.constant 0 : i32
    %c0_i32_0 = arith.constant 0 : i32
    %c0_i32_1 = arith.constant 0 : i32
    return %c0_i32, %c0_i32_0 : i32, i32
  }
  func.func @transform_7(%arg0: i32) -> (i32, i32) {
    %c0_i32 = arith.constant 0 : i32
    %c0_i32_0 = arith.constant 0 : i32
    return %arg0, %c0_i32 : i32, i32
  }
  func.func @transform_8(%arg0: i32) -> (i32, i32) {
    %c0_i32 = arith.constant 0 : i32
    %c0_i32_0 = arith.constant 0 : i32
    %c0_i32_1 = arith.constant 0 : i32
    return %c0_i32, %c0_i32_0 : i32, i32
  }
  func.func @transform_9(%arg0: i32) -> (i32, i32) {
    %c0_i32 = arith.constant 0 : i32
    %c0_i32_0 = arith.constant 0 : i32
    %c0_i32_1 = arith.constant 0 : i32
    return %c0_i32, %c0_i32_0 : i32, i32
  }
  func.func @transform_10(%arg0: i32) -> (i32, i32) {
    %c0_i32 = arith.constant 0 : i32
    %c0_i32_0 = arith.constant 0 : i32
    %c0_i32_1 = arith.constant 0 : i32
    return %c0_i32, %c0_i32_0 : i32, i32
  }
  func.func @transform_11(%arg0: i32) -> (i32, i32) {
    %c0_i32 = arith.constant 0 : i32
    %c0_i32_0 = arith.constant 0 : i32
    return %arg0, %c0_i32 : i32, i32
  }
  func.func @transform_12(%arg0: i32) -> (i32, i32) {
    %c0_i32 = arith.constant 0 : i32
    %c0_i32_0 = arith.constant 0 : i32
    return %arg0, %c0_i32 : i32, i32
  }
  func.func @transform_13(%arg0: i32) -> (i32, i32) {
    %c0_i32 = arith.constant 0 : i32
    %c0_i32_0 = arith.constant 0 : i32
    return %arg0, %c0_i32 : i32, i32
  }
  func.func @transform_14(%arg0: i32) -> (i32, i32) {
    %c0_i32 = arith.constant 0 : i32
    %c0_i32_0 = arith.constant 0 : i32
    return %arg0, %c0_i32 : i32, i32
  }
  func.func @transform_15(%arg0: i32) -> (i32, i32) {
    %c0_i32 = arith.constant 0 : i32
    %c0_i32_0 = arith.constant 0 : i32
    return %arg0, %c0_i32 : i32, i32
  }
}

</mosaic_0001>

<sc_bundles>
// kernel: kernel.10.cloned.1.call-start
scs
__scs_entry_jumppad:
0x0: {  	(pc) =	sbr.rel $0x88, $3  }
0x1: {  	(tag) =	ssettag $0x0;
	lr =	simm.s32 $0x1  }
0x2: {  	[smem:$0x3F80] =	sst lr;
	_ =	strace $0xD0000000  }
0x3: {  	_ = 	snop  }
0x4: {  	_ = 	snop  }
0x5: {  	_ = 	snop  }
0x6: {  	_ = 	snop  }
0x7: {  	_ = 	snop  }
__scs_overlays_trampoline_lowered:
0x8: {  	[smem:$0x3F8F] =	sst s0  }
0x9: {  	[smem:$0x3F90] =	sst s1  }
0xa: {  	[smem:$0x3F91] =	sst s2  }
0xb: {  	[smem:$0x3F92] =	sst s3  }
0xc: {  	[smem:$0x3F93] =	sst s4  }
0xd: {  	[smem:$0x3F94] =	sst s5  }
0xe: {  	[smem:$0x3F95] =	sst s6  }
0xf: {  	[smem:$0x3F96] =	sst s7  }
0x10: {  	[smem:$0x3F97] =	sst s8  }
0x11: {  	[smem:$0x3F98] =	sst s9;
	s0 =	simm.s32 @!p0 $0x0  }
0x12: {  	s1 =	sld [smem:$0x3F7E];
	s0 =	simm.s32 @p0 $0x1  }
0x13: {  	[smem:$0x3F99] =	sst s0;
	s0 =	simm.s32 @!p1 $0x0  }
0x14: {  	s2 =	sld [smem:$0x3F7D];
	s0 =	simm.s32 @p1 $0x1  }
0x15: {  	[smem:$0x3F9A] =	sst s0;
	s0 =	simm.s32 @!p2 $0x0  }
0x16: {  	s3 =	sld [smem:$0x3FDB];
	s0 =	simm.s32 @p2 $0x1  }
0x17: {  	s4 =	simm.s32 $0x1BF5;
	[smem:$0x3F9C] =	sst s0  }
0x18: {  	s0 =	sld [smem:$0x3F7F];
	_ =	swait.ge [sflag:s4], $0x0  }
0x19: {  	s7 =	sld [smem:$0x3F80]  }
0x1a: {  	s8 =	sadd.s32 $0xFFFFE003, lr  }
0x1b: {  	s9 =	sadd.s32 $0xFFFFFEF7, lr;
	s5 =	simm.s32 $0xFFFFFFFF;
	p2 =	slt.u32 s8, $0xFFFFF086  }
0x1c: {  	p1 =	slt.u32 s9, $0xF7A;
	s5 =	simm.s32 @!p2 $0x0  }
0x1d: {  	s5 =	simm.s32 @p1 $0x1;
	p0 =	seq.s32 s7, s2  }
0x1e: {  	s7 =	smul.u32 @!p0 $0xF7A, s2;
	p2 =	seq.s32 @!p0 s5, $0x0  }
0x1f: {  	s9 =	smul.u32 $0xF7A, s1;
	s8 =	simm.s32 @!p0 $0x1BF5;
	p2 =	por !p2, p0  }
0x20: {  	[sflag:s8] =	ssyncset.s32 @!p0 $0xFFFFF086;
	s6 =	sadd.s32 @!p0 s3, s7;
	s7 =	simm.s32 @!p0 $0x108  }
0x21: {  	s3 =	sadd.s32 s3, s9;
	s6 =	sadd.s32 @!p0 $0x88, s6;
	s7 =	simm.s32 @p2 $0x1082  }
0x22: {  	[simem:s7], [sflag:s8] =	dma.local @!p0 [hbm:s6], $0xF7A  }
0x23: {  	s9 =	sor.u32 $0xD0000000, s2;
	s6 =	simm.s32 $0x108;
	_ =	swait.ge @!p0 [sflag:s8], $0x0  }
0x24: {  	s3 =	sadd.s32 $0x88, s3;
	s6 =	simm.s32 @!p1 $0x1082;
	[sflag:s4] =	ssyncset.s32 $0xFFFFF086  }
0x25: {  	[simem:s6], [sflag:s4] =	dma.local [hbm:s3], $0xF7A  }
0x26: {  	[smem:$0x3F80] =	sst s1;
	(tag) =	ssettag s2;
	_ =	strace s9  }
0x27: {  	s1 =	sld [smem:$0x3F90]  }
0x28: {  	s2 =	sld [smem:$0x3F91]  }
0x29: {  	s4 =	sld [smem:$0x3F93]  }
0x2a: {  	p0 =	seq.s32 s5, $0x0;
	s5 =	sld [smem:$0x3F94]  }
0x2b: {  	s6 =	sld [smem:$0x3F95]  }
0x2c: {  	s7 =	sld [smem:$0x3F96]  }
0x2d: {  	s3 =	simm.s32 $0x108;
	s8 =	sld [smem:$0x3F97]  }
0x2e: {  	s3 =	simm.s32 @!p0 $0x1082;
	s9 =	sld [smem:$0x3F98]  }
0x2f: {  	lr =	sadd.s32 s0, s3;
	s0 =	sld [smem:$0x3F8F]  }
0x30: {  	s3 =	sld [smem:$0x3F92]  }
0x31: {  	[smem:$0x3F9B] =	sst s10  }
0x32: {  	s10 =	sld [smem:$0x3F99];
	_ =	sdelay $0x3  }
0x33: {  	p0 =	seq.s32 s10, $0x1;
	s10 =	sld [smem:$0x3F9B];
	_ =	sdelay $0x3  }
0x34: {  	[smem:$0x3F9B] =	sst s10  }
0x35: {  	s10 =	sld [smem:$0x3F9A];
	_ =	sdelay $0x3  }
0x36: {  	p1 =	seq.s32 s10, $0x1;
	s10 =	sld [smem:$0x3F9B];
	_ =	sdelay $0x3  }
0x37: {  	[smem:$0x3F9B] =	sst s10  }
0x38: {  	s10 =	sld [smem:$0x3F9C]  }
0x39: {  	_ = 	snop;
	(pc) =	sbr.ind lr, $3  }
0x3a: {  	_ = 	snop  }
0x3b: {  	_ = 	snop  }
0x3c: {  	p2 =	seq.s32 s10, $0x1;
	s10 =	sld [smem:$0x3F9B]  }
0x3d: {  	_ =	shalt  }
0x3e: {  	_ =	shalt  }
0x3f: {  	_ =	shalt  }
0x40: {  	_ =	shalt  }
0x41: {  	_ =	shalt  }
0x42: {  	_ =	shalt  }
0x43: {  	_ =	shalt  }
0x44: {  	_ =	shalt  }
0x45: {  	_ =	shalt  }
0x46: {  	_ =	shalt  }
0x47: {  	_ =	shalt  }
0x48: {  	_ =	shalt  }
0x49: {  	_ =	shalt  }
0x4a: {  	_ =	shalt  }
0x4b: {  	_ =	shalt  }
0x4c: {  	_ =	shalt  }
0x4d: {  	_ =	shalt  }
0x4e: {  	_ =	shalt  }
0x4f: {  	_ =	shalt  }
0x50: {  	_ =	shalt  }
0x51: {  	_ =	shalt  }
0x52: {  	_ =	shalt  }
0x53: {  	_ =	shalt  }
0x54: {  	_ =	shalt  }
0x55: {  	_ =	shalt  }
0x56: {  	_ =	shalt  }
0x57: {  	_ =	shalt  }
0x58: {  	_ =	shalt  }
0x59: {  	_ =	shalt  }
0x5a: {  	_ =	shalt  }
0x5b: {  	_ =	shalt  }
0x5c: {  	_ =	shalt  }
0x5d: {  	_ =	shalt  }
0x5e: {  	_ =	shalt  }
0x5f: {  	_ =	shalt  }
0x60: {  	_ =	shalt  }
0x61: {  	_ =	shalt  }
0x62: {  	_ =	shalt  }
0x63: {  	_ =	shalt  }
0x64: {  	_ =	shalt  }
0x65: {  	_ =	shalt  }
0x66: {  	_ =	shalt  }
0x67: {  	_ =	shalt  }
0x68: {  	_ =	shalt  }
0x69: {  	_ =	shalt  }
0x6a: {  	_ =	shalt  }
0x6b: {  	_ =	shalt  }
0x6c: {  	_ =	shalt  }
0x6d: {  	_ =	shalt  }
0x6e: {  	_ =	shalt  }
0x6f: {  	_ =	shalt  }
0x70: {  	_ =	shalt  }
0x71: {  	_ =	shalt  }
0x72: {  	_ =	shalt  }
0x73: {  	_ =	shalt  }
0x74: {  	_ =	shalt  }
0x75: {  	_ =	shalt  }
0x76: {  	_ =	shalt  }
0x77: {  	_ =	shalt  }
0x78: {  	_ =	shalt  }
0x79: {  	_ =	shalt  }
0x7a: {  	_ =	shalt  }
0x7b: {  	_ =	shalt  }
0x7c: {  	_ =	shalt  }
0x7d: {  	_ =	shalt  }
0x7e: {  	_ =	shalt  }
0x7f: {  	_ =	shalt  }
0x80: {  	_ =	shalt  }
0x81: {  	_ =	shalt  }
0x82: {  	_ =	shalt  }
0x83: {  	_ =	shalt  }
0x84: {  	_ =	shalt  }
0x85: {  	_ =	shalt  }
0x86: {  	_ =	shalt  }
0x87: {  	_ =	shalt  }
.Lfunc_end0:
.L_simem_size_0:
called_computation_lowered:
.L_overlay_start_0:
0x88: {  	s2 =	sld [smem:$0x3FD9]  }
0x89: {  	s3 =	sld [smem:$0x3FFE];
	_ =	sdelay $0x1  }
0x8a: {  	s1 =	srdreg.scid  }
0x8b: {  	s0 =	sand.u32 $0x1, s1  }
0x8c: {  	s14 =	sshll.u32 s0, $0xA;
	s2 =	sadd.s32 s3, s2  }
0x8d: {  	s2 =	sadd.s32 s2, s14  }
0x8e: {  	[smem:$0x3FA7] =	sst s2  }
0x8f: {  	_ = 	snop  }
0x90: {  	s2 =	sld [smem:$0x3FD0];
	_ =	sdelay $0x2  }
0x91: {  	s15 =	simm.s32 $0xA;
	s4 =	simm.s32 $0x10  }
0x92: {  	[smem:s4], [sflag:s15] =	dma.local [hbm:s2], $0x1  }
0x93: {  	_ =	swait.eq [sflag:s15], $0x1  }
0x94: {  	s16 =	sld [smem:$0x12];
	[sflag:s15] =	ssyncset.done $0x0  }
0x95: {  	s17 =	sld [smem:$0x13];
	[sflag:s15] =	ssyncadd.s32 $0xFFFFFFFF  }
0x96: {  	s18 =	sld [smem:$0x14];
	(tm) =	ssettm $0x1  }
0x97: {  	s5 =	sld [smem:$0x3FFB];
	_ =	sdelay $0x3  }
0x98: {  	_ =	strace s5  }
0x99: {  	s5 =	sld [smem:$0x3FFC];
	_ =	sdelay $0x3  }
0x9a: {  	_ =	strace s5  }
0x9b: {  	s5 =	sld [smem:$0x3FFD];
	_ =	sdelay $0x3  }
0x9c: {  	_ =	strace s5  }
0x9d: {  	_ =	strace $0x8FFFFFFF  }
0x9e: {  	s19 =	sld [smem:$0x3FDB];
	_ =	sdelay $0x1  }
0x9f: {  	s6 =	simm.s32 $_scs_section_size  }
0xa0: {  	s7 =	simm.s32 $_size__tile_overlayer_lowered;
	s8 =	simm.s32 $_tile_overlayer_lowered  }
0xa1: {  	s22 =	simm.s32 $0x1BFF;
	s21 =	sshll.u32 s8, $0x1;
	s5 =	sadd.s32 s6, s19  }
0xa2: {  	s9 =	simm.s32 $0x0;
	s20 =	sshll.u32 s7, $0x1;
	s7 =	sadd.s32 s21, s5  }
0xa3: {  	[timem:s9], [sflag:s22] =	dma.local [hbm:s7], s20  }
0xa4: {  	_ =	swait.ge [sflag:s22], s20  }
0xa5: {  	s6 =	ssub.s32 $0x0, s20;
	[sflag:s22] =	ssyncset.done $0x0  }
0xa6: {  	[sflag:s22] =	ssyncadd.s32 s6;
	_ =	sdelay $0x1  }
0xa7: {  	s23 =	simm.s32 $0x1B8B  }
0xa8: {  	_ =	swait.ge [sflag:s23], $0x1  }
0xa9: {  	[sflag:s23] =	ssyncset.done $0x0  }
0xaa: {  	s25 =	simm.s32 $0x1B8E;
	s24 =	sld [smem:$0x3FFE];
	[sflag:s23] =	ssyncadd.s32 $0xFFFFFFFF  }
0xab: {  	s26 =	simm.s32 $execute0_lowered;
	[smem:$0x3FD2] =	sst s25  }
0xac: {  	s7 =	sshll.u32 s26, $0x1;
	_ =	strace $0x80000046;
	[dreg:$0x1] =	wrdreg $0xFFFFFFFF  }
0xad: {  	s28 =	simm.s32 $_size_execute0_lowered;
	s5 =	sadd.s32 s5, s7;
	[dreg:$0x0] =	wrdreg $0x0  }
0xae: {  	s7 =	sshll.u32 s28, $0x1;
	[dreg:$0x2] =	wrdreg s5  }
0xaf: {  	[dreg:$0x3] =	wrdreg s7  }
0xb0: {  	[dreg:$0x4] =	wrdreg $0xC0  }
0xb1: {  	_ =	task [dreg:s9], $0x5FFFF  }
0xb2: {  	[dreg:$0x1] =	wrdreg $0xFFFFFFFF  }
0xb3: {  	[dreg:$0x0] =	wrdreg $0x60  }
0xb4: {  	[dreg:$0x2] =	wrdreg s24  }
0xb5: {  	[dreg:$0x3] =	wrdreg s16  }
0xb6: {  	[dreg:$0x4] =	wrdreg s18  }
0xb7: {  	[dreg:$0x5] =	wrdreg s17  }
0xb8: {  	[dreg:$0x6] =	wrdreg $0x28800  }
0xb9: {  	[dreg:$0x7] =	wrdreg $0x9  }
0xba: {  	_ =	task.clear_ibuf [dreg:s9], $0x8FFFF;
	_ =	strace $0x90000046  }
0xbb: {  	s29 =	simm.s32 $0x9;
	_ =	strace $0x80000048  }
0xbc: {  	_ =	swait.ge [sflag:s29], $0x1  }
0xbd: {  	[sflag:s29] =	ssyncadd.s32 $0xFFFFFFFF  }
0xbe: {  	_ =	strace $0x90000048  }
0xbf: {  	_ =	sfence  }
0xc0: {  	s30 =	sld [smem:$0x0];
	_ =	sdelay $0x2  }
0xc1: {  	s31 =	sshll.u32 s1, $0xD;
	s1 =	sshrl.u32 s1, $0x2  }
0xc2: {  	s3 =	sand.u32 $0x4000, s31;
	s1 =	sadd.s32 s1, s30  }
0xc3: {  	s0 =	sor.u32 s3, s0;
	s1 =	sshll.u32 s1, $0x11  }
0xc4: {  	s0 =	sor.u32 s1, s0  }
0xc5: {  	s0 =	sadd.s32 $0x8F2B, s0  }
0xc6: {  	[sflag:s0] =	ssyncadd.remote.s32 $0x1  }
0xc7: {  	_ =	sfence.sel $0xFFFF  }
0xc8: {  	[dreg:$0x0] =	wrdreg $0xFFFFFFFF;
	(pc) =	sbr.abs _section_cstart, $3  }
0xc9: {  	[dreg:$0x1] =	wrdreg $0xFFFFFFFF  }
0xca: {  	_ =	task.clear_ibuf [dreg:s9], $0x2FFFF;
	_ =	strace $0x9FFFFFFF  }
0xcb: {  	(tm) =	ssettm $0x7FFFFFFF  }
tec
execute0_lowered:
.L_overlay_start_1:
0x0: {  	(tag) =	ssettag $0x1  }
0x1: {  	s1 =	srdreg.scid  }
0x2: {  	s3 =	rddreg [dreg:$0x0];
	s1 =	sand.u32 $0x1, s1  }
0x3: {  	s6 =	rddreg [dreg:$0x1];
	p0 =	seq.s32 s1, $0x1  }
.Ltmp0:
0x4: {  	s8 =	rddreg [dreg:$0x2];
	(pc) =	sbr.rel @p0 .LBB2_4-.Ltmp0, $4  }
0x5: {  	s4 =	rddreg [dreg:$0x3]  }
0x6: {  	s2 =	rddreg [dreg:$0x4];
	s7 =	simm.s32 $0x0  }
0x7: {  	[smem:$0x7FF] =	sst s7  }
0x8: {  	s0 =	rddreg [dreg:$0x5];
	_ =	strace $0x80000047;
	s1 =	stileid.u32  }
0x9: {  	s5 =	smul.u32 $0x500, s1  }
0xa: {  	s3 =	sadd.s32 $0x6200, s3  }
0xb: {  	s3 =	sadd.s32 s3, s5  }
0xc: {  	[tilespmem:s7], [sflag:$0x1] =	stream.linear.gather [hbm4b:s3+s7], $0x2800, $0x38;
	[tilespmem:$0x2B00] =	vst v63  }
0xd: {  	s3 =	simm.s32 $0x1  }
0xe: {  	_ =	swait.ge [sflag:s3], $0x2800  }
0xf: {  	[sflag:s3] =	ssyncset.done $0x0  }
0x10: {  	s9 =	smul.u32 $0x280, s1;
	s5 =	simm.s32 $0x2800;
	[sflag:s3] =	ssyncadd.s32 $0xFFFFD800  }
0x11: {  	[tilespmem:s5], [sflag:$0x1] =	stream.linear.gather [hbm4b:s6+s7], $0x80, $0x38;
	[tilespmem:$0x2B00] =	vst v63  }
0x12: {  	_ =	swait.ge [sflag:s3], $0x80  }
0x13: {  	s31 =	sshll.u32 s1, $0x6;
	s30 =	sadd.s32 s9, s2;
	[sflag:s3] =	ssyncset.done $0x0  }
0x14: {  	s6 =	sor.u32 $0x1C01, s31;
	s7 =	sshrl.u32 s30, $0x3;
	[sflag:s3] =	ssyncadd.s32 $0xFFFFFF80  }
0x15: {  	[spmem:s7], [sflag:s6] =	dma.local [hbm:s8], $0x50  }
0x16: {  	_ =	swait.ge [sflag:s3], $0x50  }
0x17: {  	[sflag:s3] =	ssyncset.done $0x0  }
0x18: {  	[sflag:s3] =	ssyncadd.s32 $0xFFFFFFB0  }
0x19: {  	s10 =	simm.s32 $0x0;
	s8 =	simm.s32 $0x7D;
	[bflag:$0x0] =	sbarrier.arrive $0xFFFF  }
0x1a: {  	[spmem:s2] =	stream.indirect.scatter.add.f32 [tilespmem:s5], [sflag:$0x1], $0x1, s10, s8, $0xb8;
	[tilespmem:$0x2B00] =	vst v63  }
0x1b: {  	s9 =	sshrl.u32 s9, $0x3;
	_ =	swait.ge [sflag:s3], $0x7D  }
0x1c: {  	s4 =	sadd.s32 s4, s9;
	s9 =	simm.s32 $0x200;
	[sflag:s3] =	ssyncset.done $0x0  }
.LBB2_2:
0x1d: {  	s10 =	sshra.s32 s9, $0x2;
	[sflag:s3] =	ssyncadd.s32 $0xFFFFFF83;
	p0 =	sne.s32 s9, $0x9E00  }
0x1e: {  	[spmem:s2] =	stream.indirect.scatter.add.f32 [tilespmem:s5], [sflag:$0x1], $0x1, s10, s8, $0xb8;
	[tilespmem:$0x2B00] =	vst v63  }
.Ltmp1:
0x1f: {  	_ = 	snop;
	(pc) =	sbr.rel @p0 .LBB2_2-.Ltmp1, $4  }
0x20: {  	_ = 	snop  }
0x21: {  	s9 =	sadd.s32 $0x200, s9  }
0x22: {  	_ =	swait.ge [sflag:s3], $0x7D  }
0x23: {  	[sflag:s3] =	ssyncset.done $0x0  }
0x24: {  	[sflag:s3] =	ssyncadd.s32 $0xFFFFFF83  }
0x25: {  	s2 =	simm.s32 $0x1;
	[bflag:$0x0] =	sbarrier.arrive $0xFFFF  }
0x26: {  	[hbm:s4], [sflag:s6] =	dma.local [spmem:s7], $0x50  }
0x27: {  	_ =	swait.ge [sflag:s2], $0x50  }
0x28: {  	[sflag:s2] =	ssyncset.done $0x0  }
0x29: {  	[sflag:s2] =	ssyncadd.s32 $0xFFFFFFB0  }
.LBB2_4:
0x2a: {  	_ =	sfence.sel $0x180000  }
0x2b: {  	[bflag:$0x0] =	sbarrier.arrive $0xFFFF  }
0x2c: {  	p0 =	sne.s32 s1, $0x0;
	_ =	strace $0x90000047  }
0x2d: {  	s0 =	sadd.s32 @!p0 $0x100000, s0;
	[bflag:$0x2] =	sbarrier.arrive $0xFFFF  }
0x2e: {  	[sflag:s0] =	ssyncadd.tile.s32 @!p0 $0x1;
	_ =	shalt  }
.Lfunc_end2:
_tile_overlayer_lowered:
.L_overlay_start_2:
0x2f: {  	(tag) =	ssettag $0x2  }
0x30: {  	s0 =	rddreg [dreg:$0x0];
	s2 =	stileid.u32  }
0x31: {  	s1 =	rddreg [dreg:$0x1];
	p0 =	sne.s32 s2, $0x0  }
0x32: {  	s3 =	rddreg [dreg:$0x2];
	[bflag:$0x3] =	sbarrier.arrive $0xFFFF;
	s2 =	simm.s32 @!p0 $0x1C01  }
0x33: {  	[timem:s3], [sflag:s2] =	dma.local @!p0 [hbm:s0], s1  }
0x34: {  	s0 =	simm.s32 @!p0 $0x1  }
0x35: {  	_ =	swait.ge @!p0 [sflag:s0], s1  }
0x36: {  	s1 =	ssub.s32 @!p0 $0x0, s1;
	[sflag:s0] =	ssyncset.done @!p0 $0x0  }
0x37: {  	[sflag:s0] =	ssyncadd.s32 @!p0 s1  }
0x38: {  	[bflag:$0x3] =	sbarrier.arrive $0xFFFF  }
0x39: {  	_ =	shalt  }

// kernel: kernel.13.cloned.1.call-start
scs
__scs_entry_jumppad:
0x0: {  	(pc) =	sbr.rel $0x88, $3  }
0x1: {  	(tag) =	ssettag $0x0;
	lr =	simm.s32 $0x1  }
0x2: {  	[smem:$0x3F80] =	sst lr;
	_ =	strace $0xD0000000  }
0x3: {  	_ = 	snop  }
0x4: {  	_ = 	snop  }
0x5: {  	_ = 	snop  }
0x6: {  	_ = 	snop  }
0x7: {  	_ = 	snop  }
__scs_overlays_trampoline_lowered:
0x8: {  	[smem:$0x3F8F] =	sst s0  }
0x9: {  	[smem:$0x3F90] =	sst s1  }
0xa: {  	[smem:$0x3F91] =	sst s2  }
0xb: {  	[smem:$0x3F92] =	sst s3  }
0xc: {  	[smem:$0x3F93] =	sst s4  }
0xd: {  	[smem:$0x3F94] =	sst s5  }
0xe: {  	[smem:$0x3F95] =	sst s6  }
0xf: {  	[smem:$0x3F96] =	sst s7  }
0x10: {  	[smem:$0x3F97] =	sst s8  }
0x11: {  	[smem:$0x3F98] =	sst s9;
	s0 =	simm.s32 @!p0 $0x0  }
0x12: {  	s1 =	sld [smem:$0x3F7E];
	s0 =	simm.s32 @p0 $0x1  }
0x13: {  	[smem:$0x3F99] =	sst s0;
	s0 =	simm.s32 @!p1 $0x0  }
0x14: {  	s2 =	sld [smem:$0x3F7D];
	s0 =	simm.s32 @p1 $0x1  }
0x15: {  	[smem:$0x3F9A] =	sst s0;
	s0 =	simm.s32 @!p2 $0x0  }
0x16: {  	s3 =	sld [smem:$0x3FDB];
	s0 =	simm.s32 @p2 $0x1  }
0x17: {  	s4 =	simm.s32 $0x1BF5;
	[smem:$0x3F9C] =	sst s0  }
0x18: {  	s0 =	sld [smem:$0x3F7F];
	_ =	swait.ge [sflag:s4], $0x0  }
0x19: {  	s7 =	sld [smem:$0x3F80]  }
0x1a: {  	s8 =	sadd.s32 $0xFFFFE003, lr  }
0x1b: {  	s9 =	sadd.s32 $0xFFFFFEF7, lr;
	s5 =	simm.s32 $0xFFFFFFFF;
	p2 =	slt.u32 s8, $0xFFFFF086  }
0x1c: {  	p1 =	slt.u32 s9, $0xF7A;
	s5 =	simm.s32 @!p2 $0x0  }
0x1d: {  	s5 =	simm.s32 @p1 $0x1;
	p0 =	seq.s32 s7, s2  }
0x1e: {  	s7 =	smul.u32 @!p0 $0xF7A, s2;
	p2 =	seq.s32 @!p0 s5, $0x0  }
0x1f: {  	s9 =	smul.u32 $0xF7A, s1;
	s8 =	simm.s32 @!p0 $0x1BF5;
	p2 =	por !p2, p0  }
0x20: {  	[sflag:s8] =	ssyncset.s32 @!p0 $0xFFFFF086;
	s6 =	sadd.s32 @!p0 s3, s7;
	s7 =	simm.s32 @!p0 $0x108  }
0x21: {  	s3 =	sadd.s32 s3, s9;
	s6 =	sadd.s32 @!p0 $0x88, s6;
	s7 =	simm.s32 @p2 $0x1082  }
0x22: {  	[simem:s7], [sflag:s8] =	dma.local @!p0 [hbm:s6], $0xF7A  }
0x23: {  	s9 =	sor.u32 $0xD0000000, s2;
	s6 =	simm.s32 $0x108;
	_ =	swait.ge @!p0 [sflag:s8], $0x0  }
0x24: {  	s3 =	sadd.s32 $0x88, s3;
	s6 =	simm.s32 @!p1 $0x1082;
	[sflag:s4] =	ssyncset.s32 $0xFFFFF086  }
0x25: {  	[simem:s6], [sflag:s4] =	dma.local [hbm:s3], $0xF7A  }
0x26: {  	[smem:$0x3F80] =	sst s1;
	(tag) =	ssettag s2;
	_ =	strace s9  }
0x27: {  	s1 =	sld [smem:$0x3F90]  }
0x28: {  	s2 =	sld [smem:$0x3F91]  }
0x29: {  	s4 =	sld [smem:$0x3F93]  }
0x2a: {  	p0 =	seq.s32 s5, $0x0;
	s5 =	sld [smem:$0x3F94]  }
0x2b: {  	s6 =	sld [smem:$0x3F95]  }
0x2c: {  	s7 =	sld [smem:$0x3F96]  }
0x2d: {  	s3 =	simm.s32 $0x108;
	s8 =	sld [smem:$0x3F97]  }
0x2e: {  	s3 =	simm.s32 @!p0 $0x1082;
	s9 =	sld [smem:$0x3F98]  }
0x2f: {  	lr =	sadd.s32 s0, s3;
	s0 =	sld [smem:$0x3F8F]  }
0x30: {  	s3 =	sld [smem:$0x3F92]  }
0x31: {  	[smem:$0x3F9B] =	sst s10  }
0x32: {  	s10 =	sld [smem:$0x3F99];
	_ =	sdelay $0x3  }
0x33: {  	p0 =	seq.s32 s10, $0x1;
	s10 =	sld [smem:$0x3F9B];
	_ =	sdelay $0x3  }
0x34: {  	[smem:$0x3F9B] =	sst s10  }
0x35: {  	s10 =	sld [smem:$0x3F9A];
	_ =	sdelay $0x3  }
0x36: {  	p1 =	seq.s32 s10, $0x1;
	s10 =	sld [smem:$0x3F9B];
	_ =	sdelay $0x3  }
0x37: {  	[smem:$0x3F9B] =	sst s10  }
0x38: {  	s10 =	sld [smem:$0x3F9C]  }
0x39: {  	_ = 	snop;
	(pc) =	sbr.ind lr, $3  }
0x3a: {  	_ = 	snop  }
0x3b: {  	_ = 	snop  }
0x3c: {  	p2 =	seq.s32 s10, $0x1;
	s10 =	sld [smem:$0x3F9B]  }
0x3d: {  	_ =	shalt  }
0x3e: {  	_ =	shalt  }
0x3f: {  	_ =	shalt  }
0x40: {  	_ =	shalt  }
0x41: {  	_ =	shalt  }
0x42: {  	_ =	shalt  }
0x43: {  	_ =	shalt  }
0x44: {  	_ =	shalt  }
0x45: {  	_ =	shalt  }
0x46: {  	_ =	shalt  }
0x47: {  	_ =	shalt  }
0x48: {  	_ =	shalt  }
0x49: {  	_ =	shalt  }
0x4a: {  	_ =	shalt  }
0x4b: {  	_ =	shalt  }
0x4c: {  	_ =	shalt  }
0x4d: {  	_ =	shalt  }
0x4e: {  	_ =	shalt  }
0x4f: {  	_ =	shalt  }
0x50: {  	_ =	shalt  }
0x51: {  	_ =	shalt  }
0x52: {  	_ =	shalt  }
0x53: {  	_ =	shalt  }
0x54: {  	_ =	shalt  }
0x55: {  	_ =	shalt  }
0x56: {  	_ =	shalt  }
0x57: {  	_ =	shalt  }
0x58: {  	_ =	shalt  }
0x59: {  	_ =	shalt  }
0x5a: {  	_ =	shalt  }
0x5b: {  	_ =	shalt  }
0x5c: {  	_ =	shalt  }
0x5d: {  	_ =	shalt  }
0x5e: {  	_ =	shalt  }
0x5f: {  	_ =	shalt  }
0x60: {  	_ =	shalt  }
0x61: {  	_ =	shalt  }
0x62: {  	_ =	shalt  }
0x63: {  	_ =	shalt  }
0x64: {  	_ =	shalt  }
0x65: {  	_ =	shalt  }
0x66: {  	_ =	shalt  }
0x67: {  	_ =	shalt  }
0x68: {  	_ =	shalt  }
0x69: {  	_ =	shalt  }
0x6a: {  	_ =	shalt  }
0x6b: {  	_ =	shalt  }
0x6c: {  	_ =	shalt  }
0x6d: {  	_ =	shalt  }
0x6e: {  	_ =	shalt  }
0x6f: {  	_ =	shalt  }
0x70: {  	_ =	shalt  }
0x71: {  	_ =	shalt  }
0x72: {  	_ =	shalt  }
0x73: {  	_ =	shalt  }
0x74: {  	_ =	shalt  }
0x75: {  	_ =	shalt  }
0x76: {  	_ =	shalt  }
0x77: {  	_ =	shalt  }
0x78: {  	_ =	shalt  }
0x79: {  	_ =	shalt  }
0x7a: {  	_ =	shalt  }
0x7b: {  	_ =	shalt  }
0x7c: {  	_ =	shalt  }
0x7d: {  	_ =	shalt  }
0x7e: {  	_ =	shalt  }
0x7f: {  	_ =	shalt  }
0x80: {  	_ =	shalt  }
0x81: {  	_ =	shalt  }
0x82: {  	_ =	shalt  }
0x83: {  	_ =	shalt  }
0x84: {  	_ =	shalt  }
0x85: {  	_ =	shalt  }
0x86: {  	_ =	shalt  }
0x87: {  	_ =	shalt  }
.Lfunc_end0:
.L_simem_size_0:
called_computation.1_lowered:
.L_overlay_start_0:
0x88: {  	s2 =	sld [smem:$0x3FD9]  }
0x89: {  	s3 =	sld [smem:$0x3FFE];
	_ =	sdelay $0x1  }
0x8a: {  	s1 =	srdreg.scid  }
0x8b: {  	s0 =	sand.u32 $0x1, s1  }
0x8c: {  	s16 =	sshll.u32 s0, $0xA;
	s2 =	sadd.s32 s3, s2  }
0x8d: {  	s2 =	sadd.s32 s2, s16  }
0x8e: {  	[smem:$0x3FA7] =	sst s2  }
0x8f: {  	_ = 	snop  }
0x90: {  	(tm) =	ssettm $0x1  }
0x91: {  	s17 =	sld [smem:$0x3FFB];
	_ =	sdelay $0x3  }
0x92: {  	_ =	strace s17  }
0x93: {  	s2 =	sld [smem:$0x3FFC];
	_ =	sdelay $0x3  }
0x94: {  	_ =	strace s2  }
0x95: {  	s2 =	sld [smem:$0x3FFD];
	_ =	sdelay $0x3  }
0x96: {  	_ =	strace s2  }
0x97: {  	_ =	strace $0x8FFFFFFF  }
0x98: {  	s18 =	sld [smem:$0x3FDB];
	_ =	sdelay $0x1  }
0x99: {  	s19 =	simm.s32 $_scs_section_size  }
0x9a: {  	s4 =	simm.s32 $_size__tile_overlayer_lowered;
	s5 =	simm.s32 $_tile_overlayer_lowered  }
0x9b: {  	s22 =	simm.s32 $0x1BFF;
	s21 =	sshll.u32 s5, $0x1;
	s2 =	sadd.s32 s19, s18  }
0x9c: {  	s6 =	simm.s32 $0x0;
	s20 =	sshll.u32 s4, $0x1;
	s4 =	sadd.s32 s21, s2  }
0x9d: {  	[timem:s6], [sflag:s22] =	dma.local [hbm:s4], s20  }
0x9e: {  	_ =	swait.ge [sflag:s22], s20  }
0x9f: {  	s3 =	ssub.s32 $0x0, s20;
	[sflag:s22] =	ssyncset.done $0x0  }
0xa0: {  	[sflag:s22] =	ssyncadd.s32 s3;
	_ =	sdelay $0x1  }
0xa1: {  	s23 =	simm.s32 $0x1B8B  }
0xa2: {  	_ =	swait.ge [sflag:s23], $0x1  }
0xa3: {  	[sflag:s23] =	ssyncset.done $0x0  }
0xa4: {  	s25 =	simm.s32 $0x1B8E;
	s24 =	sld [smem:$0x3FFE];
	[sflag:s23] =	ssyncadd.s32 $0xFFFFFFFF  }
0xa5: {  	s26 =	simm.s32 $execute0_lowered;
	[smem:$0x3FD2] =	sst s25  }
0xa6: {  	s4 =	sshll.u32 s26, $0x1;
	_ =	strace $0x80000049;
	[dreg:$0x1] =	wrdreg $0xFFFFFFFF  }
0xa7: {  	s28 =	simm.s32 $_size_execute0_lowered;
	s2 =	sadd.s32 s2, s4;
	[dreg:$0x0] =	wrdreg $0x0  }
0xa8: {  	s4 =	sshll.u32 s28, $0x1;
	[dreg:$0x2] =	wrdreg s2  }
0xa9: {  	[dreg:$0x3] =	wrdreg s4  }
0xaa: {  	[dreg:$0x4] =	wrdreg $0xC0  }
0xab: {  	_ =	task [dreg:s6], $0x5FFFF  }
0xac: {  	[dreg:$0x1] =	wrdreg $0xFFFFFFFF  }
0xad: {  	[dreg:$0x0] =	wrdreg $0x60  }
0xae: {  	[dreg:$0x2] =	wrdreg s24  }
0xaf: {  	[dreg:$0x3] =	wrdreg $0xA8000  }
0xb0: {  	[dreg:$0x4] =	wrdreg $0x9  }
0xb1: {  	_ =	task.clear_ibuf [dreg:s6], $0x5FFFF;
	_ =	strace $0x90000049  }
0xb2: {  	s29 =	simm.s32 $0x9;
	_ =	strace $0x8000004B  }
0xb3: {  	_ =	swait.ge [sflag:s29], $0x1  }
0xb4: {  	[sflag:s29] =	ssyncadd.s32 $0xFFFFFFFF  }
0xb5: {  	_ =	strace $0x9000004B  }
0xb6: {  	_ =	sfence  }
0xb7: {  	s30 =	sld [smem:$0x0];
	_ =	sdelay $0x2  }
0xb8: {  	s31 =	sshll.u32 s1, $0xD;
	s1 =	sshrl.u32 s1, $0x2  }
0xb9: {  	s3 =	sand.u32 $0x4000, s31;
	s1 =	sadd.s32 s1, s30  }
0xba: {  	s0 =	sor.u32 s3, s0;
	s1 =	sshll.u32 s1, $0x11  }
0xbb: {  	s0 =	sor.u32 s1, s0  }
0xbc: {  	s0 =	sadd.s32 $0x8F2B, s0  }
0xbd: {  	[sflag:s0] =	ssyncadd.remote.s32 $0x1  }
0xbe: {  	_ =	sfence.sel $0xFFFF  }
0xbf: {  	[dreg:$0x0] =	wrdreg $0xFFFFFFFF;
	(pc) =	sbr.abs _section_cstart, $3  }
0xc0: {  	[dreg:$0x1] =	wrdreg $0xFFFFFFFF  }
0xc1: {  	_ =	task.clear_ibuf [dreg:s6], $0x2FFFF;
	_ =	strace $0x9FFFFFFF  }
0xc2: {  	(tm) =	ssettm $0x7FFFFFFF  }
0xc3: {  	_ =	shalt  }
tec
execute0_lowered:
.L_overlay_start_1:
0x0: {  	(tag) =	ssettag $0x1  }
0x1: {  	s5 =	rddreg [dreg:$0x0]  }
0x2: {  	s0 =	srdreg.scid;
	s2 =	rddreg [dreg:$0x1];
	s3 =	simm.s32 $0x0  }
0x3: {  	s15 =	simm.s32 $0x2800;
	s16 =	simm.s32 $0x1;
	s17 =	simm.s32 $0x6800  }
0x4: {  	s18 =	simm.s32 $0x2;
	s19 =	simm.s32 $0x1380;
	s20 =	simm.s32 $0x2700  }
0x5: {  	s21 =	simm.s32 $0x2780;
	s7 =	sand.u32 $0x1, s0;
	s0 =	stileid.u32  }
0x6: {  	s22 =	simm.s32 $0x0;
	[smem:$0x7FF] =	sst s3;
	s8 =	smul.u32 $0x2800, s0  }
0x7: {  	s4 =	sadd.s32 $0xD9800, s5;
	s12 =	sadd.s32 $0x6200, s5;
	s9 =	smul.u32 $0x28000, s7  }
0x8: {  	s1 =	sshll.u32 s7, $0x4;
	s10 =	ssub.s32 $0x2, s7;
	s11 =	smul.u32 $0x50000, s0  }
0x9: {  	p0 =	seq.s32 s7, $0x1;
	s14 =	sshll.u32 s0, $0x6;
	s1 =	sor.u32 s0, s1  }
0xa: {  	s31 =	sshrl.u32 s10, $0x1;
	s6 =	smul.u32 $0x280, s1;
	s1 =	rddreg [dreg:$0x2]  }
0xb: {  	_ =	strace $0x8000004A;
	s9 =	sadd.s32 s8, s9;
	s10 =	ssub.s32 s10, s31  }
0xc: {  	s11 =	sshrl.u32 s11, $0x2;
	s7 =	sadd.s32 s4, s8;
	s9 =	sadd.s32 s9, s5  }
0xd: {  	s13 =	sadd.s32 s11, s2;
	s11 =	simm.s32 $0x1400;
	s7 =	smov.u32 @p0 s12  }
0xe: {  	s12 =	sor.u32 $0x1C03, s14;
	s14 =	simm.s32 $0x7D;
	s6 =	sadd.s32 s6, s5  }
0xf: {  	s8 =	sadd.s32 $0x10200, s9;
	s9 =	smax.u32 s10, $0x1;
	s10 =	simm.s32 $0x3  }
0x10: {  	s13 =	sshrl.u32 s13, $0x3;
	s5 =	sadd.s32 $0xAC800, s6;
	s6 =	sadd.s32 $0xB200, s6  }
.LBB2_1:
0x11: {  	[tilespmem:s3], [sflag:$0x3] =	stream.linear.gather [hbm4b:s5+s3], $0x1400, $0x38;
	[tilespmem:$0x1E800] =	vst v63  }
0x12: {  	_ =	swait.ge [sflag:s10], $0x1400  }
0x13: {  	[sflag:s10] =	ssyncset.done $0x0  }
0x14: {  	[sflag:s10] =	ssyncadd.s32 $0xFFFFEC00  }
0x15: {  	[tilespmem:s11], [sflag:$0x3] =	stream.linear.gather [hbm4b:s6+s3], $0x1400, $0x38;
	[tilespmem:$0x1E800] =	vst v63  }
0x16: {  	_ =	swait.ge [sflag:s10], $0x1400  }
0x17: {  	[sflag:s10] =	ssyncset.done $0x0  }
0x18: {  	[sflag:s10] =	ssyncadd.s32 $0xFFFFEC00  }
0x19: {  	[spmem:s13], [sflag:s12] =	dma.local [hbm:s7], $0x2800  }
0x1a: {  	_ =	swait.ge [sflag:s10], $0x2800  }
0x1b: {  	[sflag:s10] =	ssyncset.done $0x0  }
0x1c: {  	[sflag:s10] =	ssyncadd.s32 $0xFFFFD800  }
0x1d: {  	[bflag:$0x0] =	sbarrier.arrive $0xFFFF  }
0x1e: {  	[tilespmem:s15], [sflag:$0x1] =	stream.indirect.gather [hbm4b:s4+s14], $0x80, s3, s14, $0xb8;
	[tilespmem:$0x1E800] =	vst v63  }
0x1f: {  	_ =	swait.ge [sflag:s16], $0x3E80  }
0x20: {  	[sflag:s16] =	ssyncset.done $0x0  }
0x21: {  	s23 =	simm.s32 $0x80;
	[sflag:s16] =	ssyncadd.s32 $0xFFFFC180  }
0x22: {  	[tilespmem:s17], [sflag:$0x2] =	stream.indirect.gather [hbm4b:s4+s14], $0x80, s23, s14, $0xb8;
	[tilespmem:$0x1E800] =	vst v63  }
0x23: {  	s29 =	simm.s32 $0x1400  }
0x24: {  	[spmem:s2] =	stream.indirect.scatter.add.f32 [tilespmem:s15], [sflag:$0x3], $0x80, s29, s14, $0xb8;
	[tilespmem:$0x1E800] =	vst v63  }
0x25: {  	_ =	swait.ge [sflag:s10], $0x3E80  }
0x26: {  	[sflag:s10] =	ssyncset.done $0x0  }
0x27: {  	[sflag:s10] =	ssyncadd.s32 $0xFFFFC180  }
0x28: {  	_ =	swait.ge [sflag:s18], $0x3E80  }
0x29: {  	[sflag:s18] =	ssyncset.done $0x0  }
0x2a: {  	s30 =	simm.s32 $0x100;
	[sflag:s18] =	ssyncadd.s32 $0xFFFFC180  }
0x2b: {  	[tilespmem:s15], [sflag:$0x1] =	stream.indirect.gather [hbm4b:s4+s14], $0x80, s30, s14, $0xb8;
	[tilespmem:$0x1E800] =	vst v63  }
0x2c: {  	s31 =	simm.s32 $0x1480  }
0x2d: {  	[spmem:s2] =	stream.indirect.scatter.add.f32 [tilespmem:s17], [sflag:$0x3], $0x80, s31, s14, $0xb8;
	[tilespmem:$0x1E800] =	vst v63  }
0x2e: {  	_ =	swait.ge [sflag:s10], $0x3E80  }
0x2f: {  	s23 =	simm.s32 $0x400;
	[sflag:s10] =	ssyncset.done $0x0  }
.LBB2_2:
0x30: {  	p0 =	sne.s32 s23, $0x4800  }
0x31: {  	[sflag:s10] =	ssyncadd.s32 $0xFFFFC180;
	s24 =	smov.u32 s23;
	s23 =	sadd.s32 $0x400, s23  }
0x32: {  	_ = 	snop  }
0x33: {  	_ =	swait.ge [sflag:s16], $0x3E80  }
0x34: {  	s24 =	sshra.s32 s24, $0x2;
	[sflag:s16] =	ssyncset.done $0x0  }
0x35: {  	s25 =	sadd.s32 $0x80, s24;
	[sflag:s16] =	ssyncadd.s32 $0xFFFFC180  }
0x36: {  	[tilespmem:s17], [sflag:$0x2] =	stream.indirect.gather [hbm4b:s4+s14], $0x80, s25, s14, $0xb8;
	[tilespmem:$0x1E800] =	vst v63  }
0x37: {  	s25 =	sadd.s32 $0x1400, s24  }
0x38: {  	[spmem:s2] =	stream.indirect.scatter.add.f32 [tilespmem:s15], [sflag:$0x3], $0x80, s25, s14, $0xb8;
	[tilespmem:$0x1E800] =	vst v63  }
0x39: {  	_ =	swait.ge [sflag:s10], $0x3E80  }
0x3a: {  	[sflag:s10] =	ssyncset.done $0x0  }
0x3b: {  	[sflag:s10] =	ssyncadd.s32 $0xFFFFC180  }
0x3c: {  	_ =	swait.ge [sflag:s18], $0x3E80  }
0x3d: {  	[sflag:s18] =	ssyncset.done $0x0  }
0x3e: {  	s25 =	sadd.s32 $0x100, s24;
	[sflag:s18] =	ssyncadd.s32 $0xFFFFC180  }
0x3f: {  	[tilespmem:s15], [sflag:$0x1] =	stream.indirect.gather [hbm4b:s4+s14], $0x80, s25, s14, $0xb8;
	[tilespmem:$0x1E800] =	vst v63  }
.Ltmp0:
0x40: {  	_ = 	snop;
	(pc) =	sbr.rel @p0 .LBB2_2-.Ltmp0, $4  }
0x41: {  	s24 =	sadd.s32 $0x1480, s24  }
0x42: {  	[spmem:s2] =	stream.indirect.scatter.add.f32 [tilespmem:s17], [sflag:$0x3], $0x80, s24, s14, $0xb8;
	[tilespmem:$0x1E800] =	vst v63  }
0x43: {  	_ =	swait.ge [sflag:s10], $0x3E80  }
0x44: {  	[sflag:s10] =	ssyncset.done $0x0  }
0x45: {  	[sflag:s10] =	ssyncadd.s32 $0xFFFFC180  }
0x46: {  	_ =	swait.ge [sflag:s16], $0x3E80  }
0x47: {  	[sflag:s16] =	ssyncset.done $0x0  }
0x48: {  	[sflag:s16] =	ssyncadd.s32 $0xFFFFC180  }
0x49: {  	[tilespmem:s17], [sflag:$0x2] =	stream.indirect.gather [hbm4b:s4+s14], $0x80, s19, s14, $0xb8;
	[tilespmem:$0x1E800] =	vst v63  }
0x4a: {  	_ = 	snop  }
0x4b: {  	[spmem:s2] =	stream.indirect.scatter.add.f32 [tilespmem:s15], [sflag:$0x3], $0x80, s20, s14, $0xb8;
	[tilespmem:$0x1E800] =	vst v63  }
0x4c: {  	_ =	swait.ge [sflag:s10], $0x3E80  }
0x4d: {  	[sflag:s10] =	ssyncset.done $0x0  }
0x4e: {  	[sflag:s10] =	ssyncadd.s32 $0xFFFFC180  }
0x4f: {  	_ =	swait.ge [sflag:s18], $0x3E80  }
0x50: {  	[sflag:s18] =	ssyncset.done $0x0  }
0x51: {  	[sflag:s18] =	ssyncadd.s32 $0xFFFFC180  }
0x52: {  	[spmem:s2] =	stream.indirect.scatter.add.f32 [tilespmem:s17], [sflag:$0x3], $0x80, s21, s14, $0xb8;
	[tilespmem:$0x1E800] =	vst v63  }
0x53: {  	_ =	swait.ge [sflag:s10], $0x3E80  }
0x54: {  	s22 =	sadd.s32 $0x1, s22;
	[sflag:s10] =	ssyncset.done $0x0  }
0x55: {  	p0 =	sne.s32 s22, s9;
	[sflag:s10] =	ssyncadd.s32 $0xFFFFC180  }
.Ltmp1:
0x56: {  	[bflag:$0x0] =	sbarrier.arrive $0xFFFF;
	(pc) =	sbr.rel @p0 .LBB2_1-.Ltmp1, $4  }
0x57: {  	[hbm:s8], [sflag:s12] =	dma.local [spmem:s13], $0x2800  }
0x58: {  	_ =	swait.ge [sflag:s10], $0x2800  }
0x59: {  	[sflag:s10] =	ssyncset.done $0x0  }
0x5a: {  	[sflag:s10] =	ssyncadd.s32 $0xFFFFD800  }
0x5b: {  	_ =	sfence.sel $0x180000  }
0x5c: {  	[bflag:$0x0] =	sbarrier.arrive $0xFFFF  }
0x5d: {  	p0 =	sne.s32 s0, $0x0;
	_ =	strace $0x9000004A  }
0x5e: {  	s0 =	sadd.s32 @!p0 $0x100000, s1;
	[bflag:$0x2] =	sbarrier.arrive $0xFFFF  }
0x5f: {  	[sflag:s0] =	ssyncadd.tile.s32 @!p0 $0x1;
	_ =	shalt  }
.Lfunc_end2:
_tile_overlayer_lowered:
.L_overlay_start_2:
0x60: {  	(tag) =	ssettag $0x2  }
0x61: {  	s0 =	rddreg [dreg:$0x0];
	s2 =	stileid.u32  }
0x62: {  	s1 =	rddreg [dreg:$0x1];
	p0 =	sne.s32 s2, $0x0  }
0x63: {  	s3 =	rddreg [dreg:$0x2];
	[bflag:$0x3] =	sbarrier.arrive $0xFFFF;
	s2 =	simm.s32 @!p0 $0x1C03  }
0x64: {  	[timem:s3], [sflag:s2] =	dma.local @!p0 [hbm:s0], s1  }
0x65: {  	s0 =	simm.s32 @!p0 $0x3  }
0x66: {  	_ =	swait.ge @!p0 [sflag:s0], s1  }
0x67: {  	s1 =	ssub.s32 @!p0 $0x0, s1;
	[sflag:s0] =	ssyncset.done @!p0 $0x0  }
0x68: {  	[sflag:s0] =	ssyncadd.s32 @!p0 s1  }
0x69: {  	[bflag:$0x3] =	sbarrier.arrive $0xFFFF  }
0x6a: {  	_ =	shalt  }

// kernel: kernel.16.cloned.1.call-start
scs
__scs_entry_jumppad:
0x0: {  	(pc) =	sbr.rel $0x88, $3  }
0x1: {  	(tag) =	ssettag $0x0;
	lr =	simm.s32 $0x1  }
0x2: {  	[smem:$0x3F80] =	sst lr;
	_ =	strace $0xD0000000  }
0x3: {  	_ = 	snop  }
0x4: {  	_ = 	snop  }
0x5: {  	_ = 	snop  }
0x6: {  	_ = 	snop  }
0x7: {  	_ = 	snop  }
__scs_overlays_trampoline_lowered:
0x8: {  	[smem:$0x3F8F] =	sst s0  }
0x9: {  	[smem:$0x3F90] =	sst s1  }
0xa: {  	[smem:$0x3F91] =	sst s2  }
0xb: {  	[smem:$0x3F92] =	sst s3  }
0xc: {  	[smem:$0x3F93] =	sst s4  }
0xd: {  	[smem:$0x3F94] =	sst s5  }
0xe: {  	[smem:$0x3F95] =	sst s6  }
0xf: {  	[smem:$0x3F96] =	sst s7  }
0x10: {  	[smem:$0x3F97] =	sst s8  }
0x11: {  	[smem:$0x3F98] =	sst s9;
	s0 =	simm.s32 @!p0 $0x0  }
0x12: {  	s1 =	sld [smem:$0x3F7E];
	s0 =	simm.s32 @p0 $0x1  }
0x13: {  	[smem:$0x3F99] =	sst s0;
	s0 =	simm.s32 @!p1 $0x0  }
0x14: {  	s2 =	sld [smem:$0x3F7D];
	s0 =	simm.s32 @p1 $0x1  }
0x15: {  	[smem:$0x3F9A] =	sst s0;
	s0 =	simm.s32 @!p2 $0x0  }
0x16: {  	s3 =	sld [smem:$0x3FDB];
	s0 =	simm.s32 @p2 $0x1  }
0x17: {  	s4 =	simm.s32 $0x1BF5;
	[smem:$0x3F9C] =	sst s0  }
0x18: {  	s0 =	sld [smem:$0x3F7F];
	_ =	swait.ge [sflag:s4], $0x0  }
0x19: {  	s7 =	sld [smem:$0x3F80]  }
0x1a: {  	s8 =	sadd.s32 $0xFFFFE003, lr  }
0x1b: {  	s9 =	sadd.s32 $0xFFFFFEF7, lr;
	s5 =	simm.s32 $0xFFFFFFFF;
	p2 =	slt.u32 s8, $0xFFFFF086  }
0x1c: {  	p1 =	slt.u32 s9, $0xF7A;
	s5 =	simm.s32 @!p2 $0x0  }
0x1d: {  	s5 =	simm.s32 @p1 $0x1;
	p0 =	seq.s32 s7, s2  }
0x1e: {  	s7 =	smul.u32 @!p0 $0xF7A, s2;
	p2 =	seq.s32 @!p0 s5, $0x0  }
0x1f: {  	s9 =	smul.u32 $0xF7A, s1;
	s8 =	simm.s32 @!p0 $0x1BF5;
	p2 =	por !p2, p0  }
0x20: {  	[sflag:s8] =	ssyncset.s32 @!p0 $0xFFFFF086;
	s6 =	sadd.s32 @!p0 s3, s7;
	s7 =	simm.s32 @!p0 $0x108  }
0x21: {  	s3 =	sadd.s32 s3, s9;
	s6 =	sadd.s32 @!p0 $0x88, s6;
	s7 =	simm.s32 @p2 $0x1082  }
0x22: {  	[simem:s7], [sflag:s8] =	dma.local @!p0 [hbm:s6], $0xF7A  }
0x23: {  	s9 =	sor.u32 $0xD0000000, s2;
	s6 =	simm.s32 $0x108;
	_ =	swait.ge @!p0 [sflag:s8], $0x0  }
0x24: {  	s3 =	sadd.s32 $0x88, s3;
	s6 =	simm.s32 @!p1 $0x1082;
	[sflag:s4] =	ssyncset.s32 $0xFFFFF086  }
0x25: {  	[simem:s6], [sflag:s4] =	dma.local [hbm:s3], $0xF7A  }
0x26: {  	[smem:$0x3F80] =	sst s1;
	(tag) =	ssettag s2;
	_ =	strace s9  }
0x27: {  	s1 =	sld [smem:$0x3F90]  }
0x28: {  	s2 =	sld [smem:$0x3F91]  }
0x29: {  	s4 =	sld [smem:$0x3F93]  }
0x2a: {  	p0 =	seq.s32 s5, $0x0;
	s5 =	sld [smem:$0x3F94]  }
0x2b: {  	s6 =	sld [smem:$0x3F95]  }
0x2c: {  	s7 =	sld [smem:$0x3F96]  }
0x2d: {  	s3 =	simm.s32 $0x108;
	s8 =	sld [smem:$0x3F97]  }
0x2e: {  	s3 =	simm.s32 @!p0 $0x1082;
	s9 =	sld [smem:$0x3F98]  }
0x2f: {  	lr =	sadd.s32 s0, s3;
	s0 =	sld [smem:$0x3F8F]  }
0x30: {  	s3 =	sld [smem:$0x3F92]  }
0x31: {  	[smem:$0x3F9B] =	sst s10  }
0x32: {  	s10 =	sld [smem:$0x3F99];
	_ =	sdelay $0x3  }
0x33: {  	p0 =	seq.s32 s10, $0x1;
	s10 =	sld [smem:$0x3F9B];
	_ =	sdelay $0x3  }
0x34: {  	[smem:$0x3F9B] =	sst s10  }
0x35: {  	s10 =	sld [smem:$0x3F9A];
	_ =	sdelay $0x3  }
0x36: {  	p1 =	seq.s32 s10, $0x1;
	s10 =	sld [smem:$0x3F9B];
	_ =	sdelay $0x3  }
0x37: {  	[smem:$0x3F9B] =	sst s10  }
0x38: {  	s10 =	sld [smem:$0x3F9C]  }
0x39: {  	_ = 	snop;
	(pc) =	sbr.ind lr, $3  }
0x3a: {  	_ = 	snop  }
0x3b: {  	_ = 	snop  }
0x3c: {  	p2 =	seq.s32 s10, $0x1;
	s10 =	sld [smem:$0x3F9B]  }
0x3d: {  	_ =	shalt  }
0x3e: {  	_ =	shalt  }
0x3f: {  	_ =	shalt  }
0x40: {  	_ =	shalt  }
0x41: {  	_ =	shalt  }
0x42: {  	_ =	shalt  }
0x43: {  	_ =	shalt  }
0x44: {  	_ =	shalt  }
0x45: {  	_ =	shalt  }
0x46: {  	_ =	shalt  }
0x47: {  	_ =	shalt  }
0x48: {  	_ =	shalt  }
0x49: {  	_ =	shalt  }
0x4a: {  	_ =	shalt  }
0x4b: {  	_ =	shalt  }
0x4c: {  	_ =	shalt  }
0x4d: {  	_ =	shalt  }
0x4e: {  	_ =	shalt  }
0x4f: {  	_ =	shalt  }
0x50: {  	_ =	shalt  }
0x51: {  	_ =	shalt  }
0x52: {  	_ =	shalt  }
0x53: {  	_ =	shalt  }
0x54: {  	_ =	shalt  }
0x55: {  	_ =	shalt  }
0x56: {  	_ =	shalt  }
0x57: {  	_ =	shalt  }
0x58: {  	_ =	shalt  }
0x59: {  	_ =	shalt  }
0x5a: {  	_ =	shalt  }
0x5b: {  	_ =	shalt  }
0x5c: {  	_ =	shalt  }
0x5d: {  	_ =	shalt  }
0x5e: {  	_ =	shalt  }
0x5f: {  	_ =	shalt  }
0x60: {  	_ =	shalt  }
0x61: {  	_ =	shalt  }
0x62: {  	_ =	shalt  }
0x63: {  	_ =	shalt  }
0x64: {  	_ =	shalt  }
0x65: {  	_ =	shalt  }
0x66: {  	_ =	shalt  }
0x67: {  	_ =	shalt  }
0x68: {  	_ =	shalt  }
0x69: {  	_ =	shalt  }
0x6a: {  	_ =	shalt  }
0x6b: {  	_ =	shalt  }
0x6c: {  	_ =	shalt  }
0x6d: {  	_ =	shalt  }
0x6e: {  	_ =	shalt  }
0x6f: {  	_ =	shalt  }
0x70: {  	_ =	shalt  }
0x71: {  	_ =	shalt  }
0x72: {  	_ =	shalt  }
0x73: {  	_ =	shalt  }
0x74: {  	_ =	shalt  }
0x75: {  	_ =	shalt  }
0x76: {  	_ =	shalt  }
0x77: {  	_ =	shalt  }
0x78: {  	_ =	shalt  }
0x79: {  	_ =	shalt  }
0x7a: {  	_ =	shalt  }
0x7b: {  	_ =	shalt  }
0x7c: {  	_ =	shalt  }
0x7d: {  	_ =	shalt  }
0x7e: {  	_ =	shalt  }
0x7f: {  	_ =	shalt  }
0x80: {  	_ =	shalt  }
0x81: {  	_ =	shalt  }
0x82: {  	_ =	shalt  }
0x83: {  	_ =	shalt  }
0x84: {  	_ =	shalt  }
0x85: {  	_ =	shalt  }
0x86: {  	_ =	shalt  }
0x87: {  	_ =	shalt  }
.Lfunc_end0:
.L_simem_size_0:
called_computation.2_lowered:
.L_overlay_start_0:
0x88: {  	s2 =	sld [smem:$0x3FD9]  }
0x89: {  	s3 =	sld [smem:$0x3FFE];
	_ =	sdelay $0x1  }
0x8a: {  	s1 =	srdreg.scid  }
0x8b: {  	s0 =	sand.u32 $0x1, s1  }
0x8c: {  	s16 =	sshll.u32 s0, $0xA;
	s2 =	sadd.s32 s3, s2  }
0x8d: {  	s2 =	sadd.s32 s2, s16  }
0x8e: {  	[smem:$0x3FA7] =	sst s2  }
0x8f: {  	_ = 	snop  }
0x90: {  	(tm) =	ssettm $0x1  }
0x91: {  	s17 =	sld [smem:$0x3FFB];
	_ =	sdelay $0x3  }
0x92: {  	_ =	strace s17  }
0x93: {  	s2 =	sld [smem:$0x3FFC];
	_ =	sdelay $0x3  }
0x94: {  	_ =	strace s2  }
0x95: {  	s2 =	sld [smem:$0x3FFD];
	_ =	sdelay $0x3  }
0x96: {  	_ =	strace s2  }
0x97: {  	_ =	strace $0x8FFFFFFF  }
0x98: {  	s18 =	sld [smem:$0x3FDB];
	_ =	sdelay $0x1  }
0x99: {  	s19 =	simm.s32 $_scs_section_size  }
0x9a: {  	s4 =	simm.s32 $_size__tile_overlayer_lowered;
	s5 =	simm.s32 $_tile_overlayer_lowered  }
0x9b: {  	s22 =	simm.s32 $0x1BFF;
	s21 =	sshll.u32 s5, $0x1;
	s2 =	sadd.s32 s19, s18  }
0x9c: {  	s6 =	simm.s32 $0x0;
	s20 =	sshll.u32 s4, $0x1;
	s4 =	sadd.s32 s21, s2  }
0x9d: {  	[timem:s6], [sflag:s22] =	dma.local [hbm:s4], s20  }
0x9e: {  	_ =	swait.ge [sflag:s22], s20  }
0x9f: {  	s3 =	ssub.s32 $0x0, s20;
	[sflag:s22] =	ssyncset.done $0x0  }
0xa0: {  	[sflag:s22] =	ssyncadd.s32 s3;
	_ =	sdelay $0x1  }
0xa1: {  	s23 =	simm.s32 $0x1B8B  }
0xa2: {  	_ =	swait.ge [sflag:s23], $0x1  }
0xa3: {  	[sflag:s23] =	ssyncset.done $0x0  }
0xa4: {  	s25 =	simm.s32 $0x1B8E;
	s24 =	sld [smem:$0x3FFE];
	[sflag:s23] =	ssyncadd.s32 $0xFFFFFFFF  }
0xa5: {  	s26 =	simm.s32 $execute0_lowered;
	[smem:$0x3FD2] =	sst s25  }
0xa6: {  	s4 =	sshll.u32 s26, $0x1;
	_ =	strace $0x8000004C;
	[dreg:$0x1] =	wrdreg $0xFFFFFFFF  }
0xa7: {  	s28 =	simm.s32 $_size_execute0_lowered;
	s2 =	sadd.s32 s2, s4;
	[dreg:$0x0] =	wrdreg $0x0  }
0xa8: {  	s4 =	sshll.u32 s28, $0x1;
	[dreg:$0x2] =	wrdreg s2  }
0xa9: {  	[dreg:$0x3] =	wrdreg s4  }
0xaa: {  	[dreg:$0x4] =	wrdreg $0xC0  }
0xab: {  	_ =	task [dreg:s6], $0x5FFFF  }
0xac: {  	[dreg:$0x1] =	wrdreg $0xFFFFFFFF  }
0xad: {  	[dreg:$0x0] =	wrdreg $0x60  }
0xae: {  	[dreg:$0x2] =	wrdreg s24  }
0xaf: {  	[dreg:$0x3] =	wrdreg $0xA8000  }
0xb0: {  	[dreg:$0x4] =	wrdreg $0x9  }
0xb1: {  	_ =	task.clear_ibuf [dreg:s6], $0x5FFFF;
	_ =	strace $0x9000004C  }
0xb2: {  	s29 =	simm.s32 $0x9;
	_ =	strace $0x8000004E  }
0xb3: {  	_ =	swait.ge [sflag:s29], $0x1  }
0xb4: {  	[sflag:s29] =	ssyncadd.s32 $0xFFFFFFFF  }
0xb5: {  	_ =	strace $0x9000004E  }
0xb6: {  	_ =	sfence  }
0xb7: {  	s30 =	sld [smem:$0x0];
	_ =	sdelay $0x2  }
0xb8: {  	s31 =	sshll.u32 s1, $0xD;
	s1 =	sshrl.u32 s1, $0x2  }
0xb9: {  	s3 =	sand.u32 $0x4000, s31;
	s1 =	sadd.s32 s1, s30  }
0xba: {  	s0 =	sor.u32 s3, s0;
	s1 =	sshll.u32 s1, $0x11  }
0xbb: {  	s0 =	sor.u32 s1, s0  }
0xbc: {  	s0 =	sadd.s32 $0x8F2B, s0  }
0xbd: {  	[sflag:s0] =	ssyncadd.remote.s32 $0x1  }
0xbe: {  	_ =	sfence.sel $0xFFFF  }
0xbf: {  	[dreg:$0x0] =	wrdreg $0xFFFFFFFF;
	(pc) =	sbr.abs _section_cstart, $3  }
0xc0: {  	[dreg:$0x1] =	wrdreg $0xFFFFFFFF  }
0xc1: {  	_ =	task.clear_ibuf [dreg:s6], $0x2FFFF;
	_ =	strace $0x9FFFFFFF  }
0xc2: {  	(tm) =	ssettm $0x7FFFFFFF  }
0xc3: {  	_ =	shalt  }
tec
execute0_lowered:
.L_overlay_start_1:
0x0: {  	(tag) =	ssettag $0x1  }
0x1: {  	s5 =	rddreg [dreg:$0x0]  }
0x2: {  	s0 =	srdreg.scid;
	s2 =	rddreg [dreg:$0x1];
	s3 =	simm.s32 $0x0  }
0x3: {  	s15 =	simm.s32 $0x2800;
	s16 =	simm.s32 $0x1;
	s17 =	simm.s32 $0x6800  }
0x4: {  	s18 =	simm.s32 $0x2;
	s19 =	simm.s32 $0x1380;
	s20 =	simm.s32 $0x2700  }
0x5: {  	s21 =	simm.s32 $0x2780;
	s7 =	sand.u32 $0x1, s0;
	s0 =	stileid.u32  }
0x6: {  	s22 =	simm.s32 $0x0;
	[smem:$0x7FF] =	sst s3;
	s8 =	smul.u32 $0x2800, s0  }
0x7: {  	s4 =	sadd.s32 $0xB1800, s5;
	s12 =	sadd.s32 $0x6200, s5;
	s9 =	smul.u32 $0x28000, s7  }
0x8: {  	s1 =	sshll.u32 s7, $0x4;
	s10 =	ssub.s32 $0x2, s7;
	s11 =	smul.u32 $0x50000, s0  }
0x9: {  	p0 =	seq.s32 s7, $0x1;
	s14 =	sshll.u32 s0, $0x6;
	s1 =	sor.u32 s0, s1  }
0xa: {  	s31 =	sshrl.u32 s10, $0x1;
	s6 =	smul.u32 $0x280, s1;
	s1 =	rddreg [dreg:$0x2]  }
0xb: {  	_ =	strace $0x8000004D;
	s9 =	sadd.s32 s8, s9;
	s10 =	ssub.s32 s10, s31  }
0xc: {  	s11 =	sshrl.u32 s11, $0x2;
	s7 =	sadd.s32 s4, s8;
	s9 =	sadd.s32 s9, s5  }
0xd: {  	s13 =	sadd.s32 s11, s2;
	s11 =	simm.s32 $0x1400;
	s7 =	smov.u32 @p0 s12  }
0xe: {  	s12 =	sor.u32 $0x1C03, s14;
	s14 =	simm.s32 $0x7D;
	s6 =	sadd.s32 s6, s5  }
0xf: {  	s8 =	sadd.s32 $0x10200, s9;
	s9 =	smax.u32 s10, $0x1;
	s10 =	simm.s32 $0x3  }
0x10: {  	s13 =	sshrl.u32 s13, $0x3;
	s5 =	sadd.s32 $0xAC800, s6;
	s6 =	sadd.s32 $0xB200, s6  }
.LBB2_1:
0x11: {  	[tilespmem:s3], [sflag:$0x3] =	stream.linear.gather [hbm4b:s5+s3], $0x1400, $0x38;
	[tilespmem:$0x1E800] =	vst v63  }
0x12: {  	_ =	swait.ge [sflag:s10], $0x1400  }
0x13: {  	[sflag:s10] =	ssyncset.done $0x0  }
0x14: {  	[sflag:s10] =	ssyncadd.s32 $0xFFFFEC00  }
0x15: {  	[tilespmem:s11], [sflag:$0x3] =	stream.linear.gather [hbm4b:s6+s3], $0x1400, $0x38;
	[tilespmem:$0x1E800] =	vst v63  }
0x16: {  	_ =	swait.ge [sflag:s10], $0x1400  }
0x17: {  	[sflag:s10] =	ssyncset.done $0x0  }
0x18: {  	[sflag:s10] =	ssyncadd.s32 $0xFFFFEC00  }
0x19: {  	[spmem:s13], [sflag:s12] =	dma.local [hbm:s7], $0x2800  }
0x1a: {  	_ =	swait.ge [sflag:s10], $0x2800  }
0x1b: {  	[sflag:s10] =	ssyncset.done $0x0  }
0x1c: {  	[sflag:s10] =	ssyncadd.s32 $0xFFFFD800  }
0x1d: {  	[bflag:$0x0] =	sbarrier.arrive $0xFFFF  }
0x1e: {  	[tilespmem:s15], [sflag:$0x1] =	stream.indirect.gather [hbm4b:s4+s14], $0x80, s3, s14, $0xb8;
	[tilespmem:$0x1E800] =	vst v63  }
0x1f: {  	_ =	swait.ge [sflag:s16], $0x3E80  }
0x20: {  	[sflag:s16] =	ssyncset.done $0x0  }
0x21: {  	s23 =	simm.s32 $0x80;
	[sflag:s16] =	ssyncadd.s32 $0xFFFFC180  }
0x22: {  	[tilespmem:s17], [sflag:$0x2] =	stream.indirect.gather [hbm4b:s4+s14], $0x80, s23, s14, $0xb8;
	[tilespmem:$0x1E800] =	vst v63  }
0x23: {  	s29 =	simm.s32 $0x1400  }
0x24: {  	[spmem:s2] =	stream.indirect.scatter.add.f32 [tilespmem:s15], [sflag:$0x3], $0x80, s29, s14, $0xb8;
	[tilespmem:$0x1E800] =	vst v63  }
0x25: {  	_ =	swait.ge [sflag:s10], $0x3E80  }
0x26: {  	[sflag:s10] =	ssyncset.done $0x0  }
0x27: {  	[sflag:s10] =	ssyncadd.s32 $0xFFFFC180  }
0x28: {  	_ =	swait.ge [sflag:s18], $0x3E80  }
0x29: {  	[sflag:s18] =	ssyncset.done $0x0  }
0x2a: {  	s30 =	simm.s32 $0x100;
	[sflag:s18] =	ssyncadd.s32 $0xFFFFC180  }
0x2b: {  	[tilespmem:s15], [sflag:$0x1] =	stream.indirect.gather [hbm4b:s4+s14], $0x80, s30, s14, $0xb8;
	[tilespmem:$0x1E800] =	vst v63  }
0x2c: {  	s31 =	simm.s32 $0x1480  }
0x2d: {  	[spmem:s2] =	stream.indirect.scatter.add.f32 [tilespmem:s17], [sflag:$0x3], $0x80, s31, s14, $0xb8;
	[tilespmem:$0x1E800] =	vst v63  }
0x2e: {  	_ =	swait.ge [sflag:s10], $0x3E80  }
0x2f: {  	s23 =	simm.s32 $0x400;
	[sflag:s10] =	ssyncset.done $0x0  }
.LBB2_2:
0x30: {  	p0 =	sne.s32 s23, $0x4800  }
0x31: {  	[sflag:s10] =	ssyncadd.s32 $0xFFFFC180;
	s24 =	smov.u32 s23;
	s23 =	sadd.s32 $0x400, s23  }
0x32: {  	_ = 	snop  }
0x33: {  	_ =	swait.ge [sflag:s16], $0x3E80  }
0x34: {  	s24 =	sshra.s32 s24, $0x2;
	[sflag:s16] =	ssyncset.done $0x0  }
0x35: {  	s25 =	sadd.s32 $0x80, s24;
	[sflag:s16] =	ssyncadd.s32 $0xFFFFC180  }
0x36: {  	[tilespmem:s17], [sflag:$0x2] =	stream.indirect.gather [hbm4b:s4+s14], $0x80, s25, s14, $0xb8;
	[tilespmem:$0x1E800] =	vst v63  }
0x37: {  	s25 =	sadd.s32 $0x1400, s24  }
0x38: {  	[spmem:s2] =	stream.indirect.scatter.add.f32 [tilespmem:s15], [sflag:$0x3], $0x80, s25, s14, $0xb8;
	[tilespmem:$0x1E800] =	vst v63  }
0x39: {  	_ =	swait.ge [sflag:s10], $0x3E80  }
0x3a: {  	[sflag:s10] =	ssyncset.done $0x0  }
0x3b: {  	[sflag:s10] =	ssyncadd.s32 $0xFFFFC180  }
0x3c: {  	_ =	swait.ge [sflag:s18], $0x3E80  }
0x3d: {  	[sflag:s18] =	ssyncset.done $0x0  }
0x3e: {  	s25 =	sadd.s32 $0x100, s24;
	[sflag:s18] =	ssyncadd.s32 $0xFFFFC180  }
0x3f: {  	[tilespmem:s15], [sflag:$0x1] =	stream.indirect.gather [hbm4b:s4+s14], $0x80, s25, s14, $0xb8;
	[tilespmem:$0x1E800] =	vst v63  }
.Ltmp0:
0x40: {  	_ = 	snop;
	(pc) =	sbr.rel @p0 .LBB2_2-.Ltmp0, $4  }
0x41: {  	s24 =	sadd.s32 $0x1480, s24  }
0x42: {  	[spmem:s2] =	stream.indirect.scatter.add.f32 [tilespmem:s17], [sflag:$0x3], $0x80, s24, s14, $0xb8;
	[tilespmem:$0x1E800] =	vst v63  }
0x43: {  	_ =	swait.ge [sflag:s10], $0x3E80  }
0x44: {  	[sflag:s10] =	ssyncset.done $0x0  }
0x45: {  	[sflag:s10] =	ssyncadd.s32 $0xFFFFC180  }
0x46: {  	_ =	swait.ge [sflag:s16], $0x3E80  }
0x47: {  	[sflag:s16] =	ssyncset.done $0x0  }
0x48: {  	[sflag:s16] =	ssyncadd.s32 $0xFFFFC180  }
0x49: {  	[tilespmem:s17], [sflag:$0x2] =	stream.indirect.gather [hbm4b:s4+s14], $0x80, s19, s14, $0xb8;
	[tilespmem:$0x1E800] =	vst v63  }
0x4a: {  	_ = 	snop  }
0x4b: {  	[spmem:s2] =	stream.indirect.scatter.add.f32 [tilespmem:s15], [sflag:$0x3], $0x80, s20, s14, $0xb8;
	[tilespmem:$0x1E800] =	vst v63  }
0x4c: {  	_ =	swait.ge [sflag:s10], $0x3E80  }
0x4d: {  	[sflag:s10] =	ssyncset.done $0x0  }
0x4e: {  	[sflag:s10] =	ssyncadd.s32 $0xFFFFC180  }
0x4f: {  	_ =	swait.ge [sflag:s18], $0x3E80  }
0x50: {  	[sflag:s18] =	ssyncset.done $0x0  }
0x51: {  	[sflag:s18] =	ssyncadd.s32 $0xFFFFC180  }
0x52: {  	[spmem:s2] =	stream.indirect.scatter.add.f32 [tilespmem:s17], [sflag:$0x3], $0x80, s21, s14, $0xb8;
	[tilespmem:$0x1E800] =	vst v63  }
0x53: {  	_ =	swait.ge [sflag:s10], $0x3E80  }
0x54: {  	s22 =	sadd.s32 $0x1, s22;
	[sflag:s10] =	ssyncset.done $0x0  }
0x55: {  	p0 =	sne.s32 s22, s9;
	[sflag:s10] =	ssyncadd.s32 $0xFFFFC180  }
.Ltmp1:
0x56: {  	[bflag:$0x0] =	sbarrier.arrive $0xFFFF;
	(pc) =	sbr.rel @p0 .LBB2_1-.Ltmp1, $4  }
0x57: {  	[hbm:s8], [sflag:s12] =	dma.local [spmem:s13], $0x2800  }
0x58: {  	_ =	swait.ge [sflag:s10], $0x2800  }
0x59: {  	[sflag:s10] =	ssyncset.done $0x0  }
0x5a: {  	[sflag:s10] =	ssyncadd.s32 $0xFFFFD800  }
0x5b: {  	_ =	sfence.sel $0x180000  }
0x5c: {  	[bflag:$0x0] =	sbarrier.arrive $0xFFFF  }
0x5d: {  	p0 =	sne.s32 s0, $0x0;
	_ =	strace $0x9000004D  }
0x5e: {  	s0 =	sadd.s32 @!p0 $0x100000, s1;
	[bflag:$0x2] =	sbarrier.arrive $0xFFFF  }
0x5f: {  	[sflag:s0] =	ssyncadd.tile.s32 @!p0 $0x1;
	_ =	shalt  }
.Lfunc_end2:
_tile_overlayer_lowered:
.L_overlay_start_2:
0x60: {  	(tag) =	ssettag $0x2  }
0x61: {  	s0 =	rddreg [dreg:$0x0];
	s2 =	stileid.u32  }
0x62: {  	s1 =	rddreg [dreg:$0x1];
	p0 =	sne.s32 s2, $0x0  }
0x63: {  	s3 =	rddreg [dreg:$0x2];
	[bflag:$0x3] =	sbarrier.arrive $0xFFFF;
	s2 =	simm.s32 @!p0 $0x1C03  }
0x64: {  	[timem:s3], [sflag:s2] =	dma.local @!p0 [hbm:s0], s1  }
0x65: {  	s0 =	simm.s32 @!p0 $0x3  }
0x66: {  	_ =	swait.ge @!p0 [sflag:s0], s1  }
0x67: {  	s1 =	ssub.s32 @!p0 $0x0, s1;
	[sflag:s0] =	ssyncset.done @!p0 $0x0  }
0x68: {  	[sflag:s0] =	ssyncadd.s32 @!p0 s1  }
0x69: {  	[bflag:$0x3] =	sbarrier.arrive $0xFFFF  }
0x6a: {  	_ =	shalt  }

// kernel: kernel.19.cloned.1.call-start
scs
__scs_entry_jumppad:
0x0: {  	(pc) =	sbr.rel $0x88, $3  }
0x1: {  	(tag) =	ssettag $0x0;
	lr =	simm.s32 $0x1  }
0x2: {  	[smem:$0x3F80] =	sst lr;
	_ =	strace $0xD0000000  }
0x3: {  	_ = 	snop  }
0x4: {  	_ = 	snop  }
0x5: {  	_ = 	snop  }
0x6: {  	_ = 	snop  }
0x7: {  	_ = 	snop  }
__scs_overlays_trampoline_lowered:
0x8: {  	[smem:$0x3F8F] =	sst s0  }
0x9: {  	[smem:$0x3F90] =	sst s1  }
0xa: {  	[smem:$0x3F91] =	sst s2  }
0xb: {  	[smem:$0x3F92] =	sst s3  }
0xc: {  	[smem:$0x3F93] =	sst s4  }
0xd: {  	[smem:$0x3F94] =	sst s5  }
0xe: {  	[smem:$0x3F95] =	sst s6  }
0xf: {  	[smem:$0x3F96] =	sst s7  }
0x10: {  	[smem:$0x3F97] =	sst s8  }
0x11: {  	[smem:$0x3F98] =	sst s9;
	s0 =	simm.s32 @!p0 $0x0  }
0x12: {  	s1 =	sld [smem:$0x3F7E];
	s0 =	simm.s32 @p0 $0x1  }
0x13: {  	[smem:$0x3F99] =	sst s0;
	s0 =	simm.s32 @!p1 $0x0  }
0x14: {  	s2 =	sld [smem:$0x3F7D];
	s0 =	simm.s32 @p1 $0x1  }
0x15: {  	[smem:$0x3F9A] =	sst s0;
	s0 =	simm.s32 @!p2 $0x0  }
0x16: {  	s3 =	sld [smem:$0x3FDB];
	s0 =	simm.s32 @p2 $0x1  }
0x17: {  	s4 =	simm.s32 $0x1BF5;
	[smem:$0x3F9C] =	sst s0  }
0x18: {  	s0 =	sld [smem:$0x3F7F];
	_ =	swait.ge [sflag:s4], $0x0  }
0x19: {  	s7 =	sld [smem:$0x3F80]  }
0x1a: {  	s8 =	sadd.s32 $0xFFFFE003, lr  }
0x1b: {  	s9 =	sadd.s32 $0xFFFFFEF7, lr;
	s5 =	simm.s32 $0xFFFFFFFF;
	p2 =	slt.u32 s8, $0xFFFFF086  }
0x1c: {  	p1 =	slt.u32 s9, $0xF7A;
	s5 =	simm.s32 @!p2 $0x0  }
0x1d: {  	s5 =	simm.s32 @p1 $0x1;
	p0 =	seq.s32 s7, s2  }
0x1e: {  	s7 =	smul.u32 @!p0 $0xF7A, s2;
	p2 =	seq.s32 @!p0 s5, $0x0  }
0x1f: {  	s9 =	smul.u32 $0xF7A, s1;
	s8 =	simm.s32 @!p0 $0x1BF5;
	p2 =	por !p2, p0  }
0x20: {  	[sflag:s8] =	ssyncset.s32 @!p0 $0xFFFFF086;
	s6 =	sadd.s32 @!p0 s3, s7;
	s7 =	simm.s32 @!p0 $0x108  }
0x21: {  	s3 =	sadd.s32 s3, s9;
	s6 =	sadd.s32 @!p0 $0x88, s6;
	s7 =	simm.s32 @p2 $0x1082  }
0x22: {  	[simem:s7], [sflag:s8] =	dma.local @!p0 [hbm:s6], $0xF7A  }
0x23: {  	s9 =	sor.u32 $0xD0000000, s2;
	s6 =	simm.s32 $0x108;
	_ =	swait.ge @!p0 [sflag:s8], $0x0  }
0x24: {  	s3 =	sadd.s32 $0x88, s3;
	s6 =	simm.s32 @!p1 $0x1082;
	[sflag:s4] =	ssyncset.s32 $0xFFFFF086  }
0x25: {  	[simem:s6], [sflag:s4] =	dma.local [hbm:s3], $0xF7A  }
0x26: {  	[smem:$0x3F80] =	sst s1;
	(tag) =	ssettag s2;
	_ =	strace s9  }
0x27: {  	s1 =	sld [smem:$0x3F90]  }
0x28: {  	s2 =	sld [smem:$0x3F91]  }
0x29: {  	s4 =	sld [smem:$0x3F93]  }
0x2a: {  	p0 =	seq.s32 s5, $0x0;
	s5 =	sld [smem:$0x3F94]  }
0x2b: {  	s6 =	sld [smem:$0x3F95]  }
0x2c: {  	s7 =	sld [smem:$0x3F96]  }
0x2d: {  	s3 =	simm.s32 $0x108;
	s8 =	sld [smem:$0x3F97]  }
0x2e: {  	s3 =	simm.s32 @!p0 $0x1082;
	s9 =	sld [smem:$0x3F98]  }
0x2f: {  	lr =	sadd.s32 s0, s3;
	s0 =	sld [smem:$0x3F8F]  }
0x30: {  	s3 =	sld [smem:$0x3F92]  }
0x31: {  	[smem:$0x3F9B] =	sst s10  }
0x32: {  	s10 =	sld [smem:$0x3F99];
	_ =	sdelay $0x3  }
0x33: {  	p0 =	seq.s32 s10, $0x1;
	s10 =	sld [smem:$0x3F9B];
	_ =	sdelay $0x3  }
0x34: {  	[smem:$0x3F9B] =	sst s10  }
0x35: {  	s10 =	sld [smem:$0x3F9A];
	_ =	sdelay $0x3  }
0x36: {  	p1 =	seq.s32 s10, $0x1;
	s10 =	sld [smem:$0x3F9B];
	_ =	sdelay $0x3  }
0x37: {  	[smem:$0x3F9B] =	sst s10  }
0x38: {  	s10 =	sld [smem:$0x3F9C]  }
0x39: {  	_ = 	snop;
	(pc) =	sbr.ind lr, $3  }
0x3a: {  	_ = 	snop  }
0x3b: {  	_ = 	snop  }
0x3c: {  	p2 =	seq.s32 s10, $0x1;
	s10 =	sld [smem:$0x3F9B]  }
0x3d: {  	_ =	shalt  }
0x3e: {  	_ =	shalt  }
0x3f: {  	_ =	shalt  }
0x40: {  	_ =	shalt  }
0x41: {  	_ =	shalt  }
0x42: {  	_ =	shalt  }
0x43: {  	_ =	shalt  }
0x44: {  	_ =	shalt  }
0x45: {  	_ =	shalt  }
0x46: {  	_ =	shalt  }
0x47: {  	_ =	shalt  }
0x48: {  	_ =	shalt  }
0x49: {  	_ =	shalt  }
0x4a: {  	_ =	shalt  }
0x4b: {  	_ =	shalt  }
0x4c: {  	_ =	shalt  }
0x4d: {  	_ =	shalt  }
0x4e: {  	_ =	shalt  }
0x4f: {  	_ =	shalt  }
0x50: {  	_ =	shalt  }
0x51: {  	_ =	shalt  }
0x52: {  	_ =	shalt  }
0x53: {  	_ =	shalt  }
0x54: {  	_ =	shalt  }
0x55: {  	_ =	shalt  }
0x56: {  	_ =	shalt  }
0x57: {  	_ =	shalt  }
0x58: {  	_ =	shalt  }
0x59: {  	_ =	shalt  }
0x5a: {  	_ =	shalt  }
0x5b: {  	_ =	shalt  }
0x5c: {  	_ =	shalt  }
0x5d: {  	_ =	shalt  }
0x5e: {  	_ =	shalt  }
0x5f: {  	_ =	shalt  }
0x60: {  	_ =	shalt  }
0x61: {  	_ =	shalt  }
0x62: {  	_ =	shalt  }
0x63: {  	_ =	shalt  }
0x64: {  	_ =	shalt  }
0x65: {  	_ =	shalt  }
0x66: {  	_ =	shalt  }
0x67: {  	_ =	shalt  }
0x68: {  	_ =	shalt  }
0x69: {  	_ =	shalt  }
0x6a: {  	_ =	shalt  }
0x6b: {  	_ =	shalt  }
0x6c: {  	_ =	shalt  }
0x6d: {  	_ =	shalt  }
0x6e: {  	_ =	shalt  }
0x6f: {  	_ =	shalt  }
0x70: {  	_ =	shalt  }
0x71: {  	_ =	shalt  }
0x72: {  	_ =	shalt  }
0x73: {  	_ =	shalt  }
0x74: {  	_ =	shalt  }
0x75: {  	_ =	shalt  }
0x76: {  	_ =	shalt  }
0x77: {  	_ =	shalt  }
0x78: {  	_ =	shalt  }
0x79: {  	_ =	shalt  }
0x7a: {  	_ =	shalt  }
0x7b: {  	_ =	shalt  }
0x7c: {  	_ =	shalt  }
0x7d: {  	_ =	shalt  }
0x7e: {  	_ =	shalt  }
0x7f: {  	_ =	shalt  }
0x80: {  	_ =	shalt  }
0x81: {  	_ =	shalt  }
0x82: {  	_ =	shalt  }
0x83: {  	_ =	shalt  }
0x84: {  	_ =	shalt  }
0x85: {  	_ =	shalt  }
0x86: {  	_ =	shalt  }
0x87: {  	_ =	shalt  }
.Lfunc_end0:
.L_simem_size_0:
called_computation.3_lowered:
.L_overlay_start_0:
0x88: {  	s2 =	sld [smem:$0x3FD9]  }
0x89: {  	s3 =	sld [smem:$0x3FFE];
	_ =	sdelay $0x1  }
0x8a: {  	s1 =	srdreg.scid  }
0x8b: {  	s0 =	sand.u32 $0x1, s1  }
0x8c: {  	s16 =	sshll.u32 s0, $0xA;
	s2 =	sadd.s32 s3, s2  }
0x8d: {  	s2 =	sadd.s32 s2, s16  }
0x8e: {  	[smem:$0x3FA7] =	sst s2  }
0x8f: {  	_ = 	snop  }
0x90: {  	(tm) =	ssettm $0x1  }
0x91: {  	s17 =	sld [smem:$0x3FFB];
	_ =	sdelay $0x3  }
0x92: {  	_ =	strace s17  }
0x93: {  	s2 =	sld [smem:$0x3FFC];
	_ =	sdelay $0x3  }
0x94: {  	_ =	strace s2  }
0x95: {  	s2 =	sld [smem:$0x3FFD];
	_ =	sdelay $0x3  }
0x96: {  	_ =	strace s2  }
0x97: {  	_ =	strace $0x8FFFFFFF  }
0x98: {  	s18 =	sld [smem:$0x3FDB];
	_ =	sdelay $0x1  }
0x99: {  	s19 =	simm.s32 $_scs_section_size  }
0x9a: {  	s4 =	simm.s32 $_size__tile_overlayer_lowered;
	s5 =	simm.s32 $_tile_overlayer_lowered  }
0x9b: {  	s22 =	simm.s32 $0x1BFF;
	s21 =	sshll.u32 s5, $0x1;
	s2 =	sadd.s32 s19, s18  }
0x9c: {  	s6 =	simm.s32 $0x0;
	s20 =	sshll.u32 s4, $0x1;
	s4 =	sadd.s32 s21, s2  }
0x9d: {  	[timem:s6], [sflag:s22] =	dma.local [hbm:s4], s20  }
0x9e: {  	_ =	swait.ge [sflag:s22], s20  }
0x9f: {  	s3 =	ssub.s32 $0x0, s20;
	[sflag:s22] =	ssyncset.done $0x0  }
0xa0: {  	[sflag:s22] =	ssyncadd.s32 s3;
	_ =	sdelay $0x1  }
0xa1: {  	s23 =	simm.s32 $0x1B8B  }
0xa2: {  	_ =	swait.ge [sflag:s23], $0x1  }
0xa3: {  	[sflag:s23] =	ssyncset.done $0x0  }
0xa4: {  	s25 =	simm.s32 $0x1B8E;
	s24 =	sld [smem:$0x3FFE];
	[sflag:s23] =	ssyncadd.s32 $0xFFFFFFFF  }
0xa5: {  	s26 =	simm.s32 $execute0_lowered;
	[smem:$0x3FD2] =	sst s25  }
0xa6: {  	s4 =	sshll.u32 s26, $0x1;
	_ =	strace $0x8000004F;
	[dreg:$0x1] =	wrdreg $0xFFFFFFFF  }
0xa7: {  	s28 =	simm.s32 $_size_execute0_lowered;
	s2 =	sadd.s32 s2, s4;
	[dreg:$0x0] =	wrdreg $0x0  }
0xa8: {  	s4 =	sshll.u32 s28, $0x1;
	[dreg:$0x2] =	wrdreg s2  }
0xa9: {  	[dreg:$0x3] =	wrdreg s4  }
0xaa: {  	[dreg:$0x4] =	wrdreg $0xC0  }
0xab: {  	_ =	task [dreg:s6], $0x5FFFF  }
0xac: {  	[dreg:$0x1] =	wrdreg $0xFFFFFFFF  }
0xad: {  	[dreg:$0x0] =	wrdreg $0x60  }
0xae: {  	[dreg:$0x2] =	wrdreg s24  }
0xaf: {  	[dreg:$0x3] =	wrdreg $0xA8000  }
0xb0: {  	[dreg:$0x4] =	wrdreg $0x9  }
0xb1: {  	_ =	task.clear_ibuf [dreg:s6], $0x5FFFF;
	_ =	strace $0x9000004F  }
0xb2: {  	s29 =	simm.s32 $0x9;
	_ =	strace $0x80000051  }
0xb3: {  	_ =	swait.ge [sflag:s29], $0x1  }
0xb4: {  	[sflag:s29] =	ssyncadd.s32 $0xFFFFFFFF  }
0xb5: {  	_ =	strace $0x90000051  }
0xb6: {  	_ =	sfence  }
0xb7: {  	s30 =	sld [smem:$0x0];
	_ =	sdelay $0x2  }
0xb8: {  	s31 =	sshll.u32 s1, $0xD;
	s1 =	sshrl.u32 s1, $0x2  }
0xb9: {  	s3 =	sand.u32 $0x4000, s31;
	s1 =	sadd.s32 s1, s30  }
0xba: {  	s0 =	sor.u32 s3, s0;
	s1 =	sshll.u32 s1, $0x11  }
0xbb: {  	s0 =	sor.u32 s1, s0  }
0xbc: {  	s0 =	sadd.s32 $0x8F2B, s0  }
0xbd: {  	[sflag:s0] =	ssyncadd.remote.s32 $0x1  }
0xbe: {  	_ =	sfence.sel $0xFFFF  }
0xbf: {  	[dreg:$0x0] =	wrdreg $0xFFFFFFFF;
	(pc) =	sbr.abs _section_cstart, $3  }
0xc0: {  	[dreg:$0x1] =	wrdreg $0xFFFFFFFF  }
0xc1: {  	_ =	task.clear_ibuf [dreg:s6], $0x2FFFF;
	_ =	strace $0x9FFFFFFF  }
0xc2: {  	(tm) =	ssettm $0x7FFFFFFF  }
0xc3: {  	_ =	shalt  }
tec
execute0_lowered:
.L_overlay_start_1:
0x0: {  	(tag) =	ssettag $0x1  }
0x1: {  	s5 =	rddreg [dreg:$0x0]  }
0x2: {  	s0 =	srdreg.scid;
	s2 =	rddreg [dreg:$0x1];
	s3 =	simm.s32 $0x0  }
0x3: {  	s15 =	simm.s32 $0x2800;
	s16 =	simm.s32 $0x1;
	s17 =	simm.s32 $0x6800  }
0x4: {  	s18 =	simm.s32 $0x2;
	s19 =	simm.s32 $0x1380;
	s20 =	simm.s32 $0x2700  }
0x5: {  	s21 =	simm.s32 $0x2780;
	s7 =	sand.u32 $0x1, s0;
	s0 =	stileid.u32  }
0x6: {  	s22 =	simm.s32 $0x0;
	[smem:$0x7FF] =	sst s3;
	s8 =	smul.u32 $0x2800, s0  }
0x7: {  	s4 =	sadd.s32 $0xB1800, s5;
	s12 =	sadd.s32 $0x6200, s5;
	s9 =	smul.u32 $0x28000, s7  }
0x8: {  	s1 =	sshll.u32 s7, $0x4;
	s10 =	ssub.s32 $0x2, s7;
	s11 =	smul.u32 $0x50000, s0  }
0x9: {  	p0 =	seq.s32 s7, $0x1;
	s14 =	sshll.u32 s0, $0x6;
	s1 =	sor.u32 s0, s1  }
0xa: {  	s31 =	sshrl.u32 s10, $0x1;
	s6 =	smul.u32 $0x280, s1;
	s1 =	rddreg [dreg:$0x2]  }
0xb: {  	_ =	strace $0x80000050;
	s9 =	sadd.s32 s8, s9;
	s10 =	ssub.s32 s10, s31  }
0xc: {  	s11 =	sshrl.u32 s11, $0x2;
	s7 =	sadd.s32 s4, s8;
	s9 =	sadd.s32 s9, s5  }
0xd: {  	s13 =	sadd.s32 s11, s2;
	s11 =	simm.s32 $0x1400;
	s7 =	smov.u32 @p0 s12  }
0xe: {  	s12 =	sor.u32 $0x1C03, s14;
	s14 =	simm.s32 $0x7D;
	s6 =	sadd.s32 s6, s5  }
0xf: {  	s8 =	sadd.s32 $0x10200, s9;
	s9 =	smax.u32 s10, $0x1;
	s10 =	simm.s32 $0x3  }
0x10: {  	s13 =	sshrl.u32 s13, $0x3;
	s5 =	sadd.s32 $0xAC800, s6;
	s6 =	sadd.s32 $0xB200, s6  }
.LBB2_1:
0x11: {  	[tilespmem:s3], [sflag:$0x3] =	stream.linear.gather [hbm4b:s5+s3], $0x1400, $0x38;
	[tilespmem:$0x1E800] =	vst v63  }
0x12: {  	_ =	swait.ge [sflag:s10], $0x1400  }
0x13: {  	[sflag:s10] =	ssyncset.done $0x0  }
0x14: {  	[sflag:s10] =	ssyncadd.s32 $0xFFFFEC00  }
0x15: {  	[tilespmem:s11], [sflag:$0x3] =	stream.linear.gather [hbm4b:s6+s3], $0x1400, $0x38;
	[tilespmem:$0x1E800] =	vst v63  }
0x16: {  	_ =	swait.ge [sflag:s10], $0x1400  }
0x17: {  	[sflag:s10] =	ssyncset.done $0x0  }
0x18: {  	[sflag:s10] =	ssyncadd.s32 $0xFFFFEC00  }
0x19: {  	[spmem:s13], [sflag:s12] =	dma.local [hbm:s7], $0x2800  }
0x1a: {  	_ =	swait.ge [sflag:s10], $0x2800  }
0x1b: {  	[sflag:s10] =	ssyncset.done $0x0  }
0x1c: {  	[sflag:s10] =	ssyncadd.s32 $0xFFFFD800  }
0x1d: {  	[bflag:$0x0] =	sbarrier.arrive $0xFFFF  }
0x1e: {  	[tilespmem:s15], [sflag:$0x1] =	stream.indirect.gather [hbm4b:s4+s14], $0x80, s3, s14, $0xb8;
	[tilespmem:$0x1E800] =	vst v63  }
0x1f: {  	_ =	swait.ge [sflag:s16], $0x3E80  }
0x20: {  	[sflag:s16] =	ssyncset.done $0x0  }
0x21: {  	s23 =	simm.s32 $0x80;
	[sflag:s16] =	ssyncadd.s32 $0xFFFFC180  }
0x22: {  	[tilespmem:s17], [sflag:$0x2] =	stream.indirect.gather [hbm4b:s4+s14], $0x80, s23, s14, $0xb8;
	[tilespmem:$0x1E800] =	vst v63  }
0x23: {  	s29 =	simm.s32 $0x1400  }
0x24: {  	[spmem:s2] =	stream.indirect.scatter.add.f32 [tilespmem:s15], [sflag:$0x3], $0x80, s29, s14, $0xb8;
	[tilespmem:$0x1E800] =	vst v63  }
0x25: {  	_ =	swait.ge [sflag:s10], $0x3E80  }
0x26: {  	[sflag:s10] =	ssyncset.done $0x0  }
0x27: {  	[sflag:s10] =	ssyncadd.s32 $0xFFFFC180  }
0x28: {  	_ =	swait.ge [sflag:s18], $0x3E80  }
0x29: {  	[sflag:s18] =	ssyncset.done $0x0  }
0x2a: {  	s30 =	simm.s32 $0x100;
	[sflag:s18] =	ssyncadd.s32 $0xFFFFC180  }
0x2b: {  	[tilespmem:s15], [sflag:$0x1] =	stream.indirect.gather [hbm4b:s4+s14], $0x80, s30, s14, $0xb8;
	[tilespmem:$0x1E800] =	vst v63  }
0x2c: {  	s31 =	simm.s32 $0x1480  }
0x2d: {  	[spmem:s2] =	stream.indirect.scatter.add.f32 [tilespmem:s17], [sflag:$0x3], $0x80, s31, s14, $0xb8;
	[tilespmem:$0x1E800] =	vst v63  }
0x2e: {  	_ =	swait.ge [sflag:s10], $0x3E80  }
0x2f: {  	s23 =	simm.s32 $0x400;
	[sflag:s10] =	ssyncset.done $0x0  }
.LBB2_2:
0x30: {  	p0 =	sne.s32 s23, $0x4800  }
0x31: {  	[sflag:s10] =	ssyncadd.s32 $0xFFFFC180;
	s24 =	smov.u32 s23;
	s23 =	sadd.s32 $0x400, s23  }
0x32: {  	_ = 	snop  }
0x33: {  	_ =	swait.ge [sflag:s16], $0x3E80  }
0x34: {  	s24 =	sshra.s32 s24, $0x2;
	[sflag:s16] =	ssyncset.done $0x0  }
0x35: {  	s25 =	sadd.s32 $0x80, s24;
	[sflag:s16] =	ssyncadd.s32 $0xFFFFC180  }
0x36: {  	[tilespmem:s17], [sflag:$0x2] =	stream.indirect.gather [hbm4b:s4+s14], $0x80, s25, s14, $0xb8;
	[tilespmem:$0x1E800] =	vst v63  }
0x37: {  	s25 =	sadd.s32 $0x1400, s24  }
0x38: {  	[spmem:s2] =	stream.indirect.scatter.add.f32 [tilespmem:s15], [sflag:$0x3], $0x80, s25, s14, $0xb8;
	[tilespmem:$0x1E800] =	vst v63  }
0x39: {  	_ =	swait.ge [sflag:s10], $0x3E80  }
0x3a: {  	[sflag:s10] =	ssyncset.done $0x0  }
0x3b: {  	[sflag:s10] =	ssyncadd.s32 $0xFFFFC180  }
0x3c: {  	_ =	swait.ge [sflag:s18], $0x3E80  }
0x3d: {  	[sflag:s18] =	ssyncset.done $0x0  }
0x3e: {  	s25 =	sadd.s32 $0x100, s24;
	[sflag:s18] =	ssyncadd.s32 $0xFFFFC180  }
0x3f: {  	[tilespmem:s15], [sflag:$0x1] =	stream.indirect.gather [hbm4b:s4+s14], $0x80, s25, s14, $0xb8;
	[tilespmem:$0x1E800] =	vst v63  }
.Ltmp0:
0x40: {  	_ = 	snop;
	(pc) =	sbr.rel @p0 .LBB2_2-.Ltmp0, $4  }
0x41: {  	s24 =	sadd.s32 $0x1480, s24  }
0x42: {  	[spmem:s2] =	stream.indirect.scatter.add.f32 [tilespmem:s17], [sflag:$0x3], $0x80, s24, s14, $0xb8;
	[tilespmem:$0x1E800] =	vst v63  }
0x43: {  	_ =	swait.ge [sflag:s10], $0x3E80  }
0x44: {  	[sflag:s10] =	ssyncset.done $0x0  }
0x45: {  	[sflag:s10] =	ssyncadd.s32 $0xFFFFC180  }
0x46: {  	_ =	swait.ge [sflag:s16], $0x3E80  }
0x47: {  	[sflag:s16] =	ssyncset.done $0x0  }
0x48: {  	[sflag:s16] =	ssyncadd.s32 $0xFFFFC180  }
0x49: {  	[tilespmem:s17], [sflag:$0x2] =	stream.indirect.gather [hbm4b:s4+s14], $0x80, s19, s14, $0xb8;
	[tilespmem:$0x1E800] =	vst v63  }
0x4a: {  	_ = 	snop  }
0x4b: {  	[spmem:s2] =	stream.indirect.scatter.add.f32 [tilespmem:s15], [sflag:$0x3], $0x80, s20, s14, $0xb8;
	[tilespmem:$0x1E800] =	vst v63  }
0x4c: {  	_ =	swait.ge [sflag:s10], $0x3E80  }
0x4d: {  	[sflag:s10] =	ssyncset.done $0x0  }
0x4e: {  	[sflag:s10] =	ssyncadd.s32 $0xFFFFC180  }
0x4f: {  	_ =	swait.ge [sflag:s18], $0x3E80  }
0x50: {  	[sflag:s18] =	ssyncset.done $0x0  }
0x51: {  	[sflag:s18] =	ssyncadd.s32 $0xFFFFC180  }
0x52: {  	[spmem:s2] =	stream.indirect.scatter.add.f32 [tilespmem:s17], [sflag:$0x3], $0x80, s21, s14, $0xb8;
	[tilespmem:$0x1E800] =	vst v63  }
0x53: {  	_ =	swait.ge [sflag:s10], $0x3E80  }
0x54: {  	s22 =	sadd.s32 $0x1, s22;
	[sflag:s10] =	ssyncset.done $0x0  }
0x55: {  	p0 =	sne.s32 s22, s9;
	[sflag:s10] =	ssyncadd.s32 $0xFFFFC180  }
.Ltmp1:
0x56: {  	[bflag:$0x0] =	sbarrier.arrive $0xFFFF;
	(pc) =	sbr.rel @p0 .LBB2_1-.Ltmp1, $4  }
0x57: {  	[hbm:s8], [sflag:s12] =	dma.local [spmem:s13], $0x2800  }
0x58: {  	_ =	swait.ge [sflag:s10], $0x2800  }
0x59: {  	[sflag:s10] =	ssyncset.done $0x0  }
0x5a: {  	[sflag:s10] =	ssyncadd.s32 $0xFFFFD800  }
0x5b: {  	_ =	sfence.sel $0x180000  }
0x5c: {  	[bflag:$0x0] =	sbarrier.arrive $0xFFFF  }
0x5d: {  	p0 =	sne.s32 s0, $0x0;
	_ =	strace $0x90000050  }
0x5e: {  	s0 =	sadd.s32 @!p0 $0x100000, s1;
	[bflag:$0x2] =	sbarrier.arrive $0xFFFF  }
0x5f: {  	[sflag:s0] =	ssyncadd.tile.s32 @!p0 $0x1;
	_ =	shalt  }
.Lfunc_end2:
_tile_overlayer_lowered:
.L_overlay_start_2:
0x60: {  	(tag) =	ssettag $0x2  }
0x61: {  	s0 =	rddreg [dreg:$0x0];
	s2 =	stileid.u32  }
0x62: {  	s1 =	rddreg [dreg:$0x1];
	p0 =	sne.s32 s2, $0x0  }
0x63: {  	s3 =	rddreg [dreg:$0x2];
	[bflag:$0x3] =	sbarrier.arrive $0xFFFF;
	s2 =	simm.s32 @!p0 $0x1C03  }
0x64: {  	[timem:s3], [sflag:s2] =	dma.local @!p0 [hbm:s0], s1  }
0x65: {  	s0 =	simm.s32 @!p0 $0x3  }
0x66: {  	_ =	swait.ge @!p0 [sflag:s0], s1  }
0x67: {  	s1 =	ssub.s32 @!p0 $0x0, s1;
	[sflag:s0] =	ssyncset.done @!p0 $0x0  }
0x68: {  	[sflag:s0] =	ssyncadd.s32 @!p0 s1  }
0x69: {  	[bflag:$0x3] =	sbarrier.arrive $0xFFFF  }
0x6a: {  	_ =	shalt  }

</sc_bundles>
